<compile_context>
chip_gen: v7x
topology: tpu7x:2x2x1
jax: 0.10.2.dev20260603
libtpu: 0.0.44.dev20260713+nightly
codegen_flags: <defaults>
</compile_context>

<pallas_src>
import jax
import jax.numpy as jnp
from jax import lax
from jax.experimental import pallas as pl
from jax.experimental.pallas import tpu as pltpu
from jax.experimental.pallas import tpu_sc as plsc

BATCH = 16384
NTILES = 16
PER_TILE = BATCH // NTILES
CHUNK = 128
NCHUNK = PER_TILE // CHUNK
L = 16
NVEC = PER_TILE // L
EPS = 1e-5
EMB_ROWS = 1000000
TABLE_PAD = 1000448


def _rsqrt16(x, newton_steps=4):
    i = lax.bitcast_convert_type(x, jnp.int32)
    i = jnp.int32(0x5F3759DF) - lax.shift_right_arithmetic(i, 1)
    y = lax.bitcast_convert_type(i, jnp.float32)
    half = x * 0.5
    for _ in range(newton_steps):
        y = y * (1.5 - half * y * y)
    return y


def _lane_sum_bcast(v):
    idx0 = lax.iota(jnp.int32, 16)
    dnums = lax.GatherDimensionNumbers(
        offset_dims=(), collapsed_slice_dims=(0,), start_index_map=(0,)
    )
    for s in (1, 2, 4, 8):
        perm = lax.gather(
            v, (idx0 ^ s)[:, None], dnums, slice_sizes=(1,),
            mode=lax.GatherScatterMode.PROMISE_IN_BOUNDS,
        )
        v = v + perm
    return v


def _embedder_body(x_hbm, table_hbm, params_hbm, out_hbm, partials_hbm,
                   idx_v, rows_v, params_v, stage_v, all_v, out_v, sem):
    tid = lax.axis_index("s")

    pltpu.sync_copy(x_hbm.at[pl.ds(tid * PER_TILE, PER_TILE)], idx_v)
    copies = []
    for j in range(NCHUNK):
        copies.append(
            pltpu.async_copy(
                table_hbm.at[idx_v.at[pl.ds(j * CHUNK, CHUNK)]],
                rows_v.at[pl.ds(j * CHUNK, CHUNK)],
                sem,
            )
        )
    pltpu.sync_copy(params_hbm, params_v)

    def _stats_step(i, carry):
        s, q = carry
        v = rows_v[pl.ds(i * L, L)]
        return s + v, q + v * v

    zero = jnp.zeros((L,), jnp.float32)
    acc_s, acc_q = zero, zero
    vec_per_chunk = CHUNK // L
    for j in range(NCHUNK):
        copies[j].wait()
        acc_s, acc_q = lax.fori_loop(
            j * vec_per_chunk, (j + 1) * vec_per_chunk,
            _stats_step, (acc_s, acc_q))
    stage_v[0, :] = acc_s
    stage_v[1, :] = acc_q

    pltpu.sync_copy(stage_v, partials_hbm.at[tid])
    plsc.subcore_barrier()
    pltpu.sync_copy(partials_hbm, all_v)

    def _reduce_step(t, carry):
        s, q = carry
        return s + all_v[t, 0, :], q + all_v[t, 1, :]

    tot_s, tot_q = lax.fori_loop(0, NTILES, _reduce_step, (zero, zero))
    sum_e = _lane_sum_bcast(tot_s)
    sum_q = _lane_sum_bcast(tot_q)

    w = params_v[0, :]
    bias = params_v[1, :]
    bn_g = params_v[2, :]
    bn_b = params_v[3, :]
    ln_g = params_v[4, :]
    ln_b = params_v[5, :]

    inv_b = 1.0 / BATCH
    mean_e = sum_e * inv_b
    var_e = sum_q * inv_b - mean_e * mean_e
    mu = w * mean_e + bias
    var = w * w * var_e
    inv_sigma = _rsqrt16(var + EPS)
    scale = inv_sigma * bn_g
    shift = bn_b - mu * scale

    def _norm_step(i, carry):
        v = rows_v[pl.ds(i * L, L)]
        lin = v * w + bias
        bn = lin * scale + shift
        m = bn
        d = bn - m
        v_ln = d * d
        out_v[pl.ds(i * L, L)] = d * _rsqrt16(v_ln + EPS, 2) * ln_g + ln_b
        return carry

    lax.fori_loop(0, NVEC, _norm_step, 0)

    pltpu.sync_copy(out_v, out_hbm.at[pl.ds(tid * PER_TILE, PER_TILE)])


@jax.jit
def _embedder_sc(x1d, table1d, params):
    mesh = plsc.VectorSubcoreMesh(
        core_axis_name="c", subcore_axis_name="s", num_cores=1
    )
    return pl.kernel(
        _embedder_body,
        out_type=(jax.ShapeDtypeStruct((BATCH,), jnp.float32),
                  jax.ShapeDtypeStruct((NTILES, 2, L), jnp.float32)),
        mesh=mesh,
        scratch_types=[
            pltpu.VMEM((PER_TILE,), jnp.int32),
            pltpu.VMEM((PER_TILE,), jnp.float32),
            pltpu.VMEM((6, L), jnp.float32),
            pltpu.VMEM((2, L), jnp.float32),
            pltpu.VMEM((NTILES, 2, L), jnp.float32),
            pltpu.VMEM((PER_TILE,), jnp.float32),
            pltpu.SemaphoreType.DMA,
        ],
    )(x1d, table1d, params)


def kernel(x, table, W, b, bn_gamma, bn_beta, ln_gamma, ln_beta):
    tpad = jnp.pad(table, ((0, TABLE_PAD - EMB_ROWS), (0, 0)))
    table1d = tpad.reshape(-1)
    scal = jnp.stack([
        W.reshape(()), b.reshape(()),
        bn_gamma.reshape(()), bn_beta.reshape(()),
        ln_gamma.reshape(()), ln_beta.reshape(()),
    ]).astype(jnp.float32)
    params = jnp.broadcast_to(scal[:, None], (6, L))
    out, _ = _embedder_sc(x, table1d, params)
    return out.reshape(BATCH, 1)

# --- scband reference (transcript-rebuilt; emitter-appended) ---
"""Pipeline reference for scband-embedder-14104672600419 (READ-ONLY COPY).

The authoritative reference and input builder live on the scoring server;
editing this copy changes nothing except your own understanding.
"""

import jax, jax.numpy as jnp
import numpy as np

EMBEDDING_SIZE = 1000000
FEATURE_SIZE = 1
BATCH = 16384


def setup_inputs(seed: int = 0) -> dict:
    key = jax.random.key(seed)
    k1, k2, k3 = jax.random.split(key, 3)
    # forward input: 1-D index tensor [B] (only rank that is shape-consistent
    # with the Sequential: Embedding -> AdaptiveAvgPool1d(1) -> Linear -> BN -> LN)
    x = jax.random.randint(k1, (BATCH,), 0, EMBEDDING_SIZE, dtype=jnp.int32)
    # learned parameters
    table = jax.random.normal(k2, (EMBEDDING_SIZE, FEATURE_SIZE), dtype=jnp.float32)
    W = jax.random.normal(k3, (FEATURE_SIZE, FEATURE_SIZE), dtype=jnp.float32) / np.sqrt(FEATURE_SIZE)
    b = jnp.zeros((FEATURE_SIZE,), dtype=jnp.float32)
    bn_gamma = jnp.ones((FEATURE_SIZE,), dtype=jnp.float32)
    bn_beta = jnp.zeros((FEATURE_SIZE,), dtype=jnp.float32)
    ln_gamma = jnp.ones((FEATURE_SIZE,), dtype=jnp.float32)
    ln_beta = jnp.zeros((FEATURE_SIZE,), dtype=jnp.float32)
    return {"x": x, "table": table, "W": W, "b": b,
            "bn_gamma": bn_gamma, "bn_beta": bn_beta,
            "ln_gamma": ln_gamma, "ln_beta": ln_beta}


def reference(x, table, W, b, bn_gamma, bn_beta, ln_gamma, ln_beta):
    eps = 1e-5
    # nn.Embedding: gather rows -> [B, F]
    emb = jnp.take(table, x, axis=0)
    # nn.AdaptiveAvgPool1d(1) on 2-D input (C, L) = (B, F): mean over last dim -> [B, 1]
    pooled = jnp.mean(emb, axis=-1, keepdims=True)
    # nn.Linear(F, F); only valid because F == 1
    lin = pooled @ W.T + b
    # nn.BatchNorm1d(F) in training mode: normalize over batch dim (biased var)
    mu = jnp.mean(lin, axis=0)
    var = jnp.var(lin, axis=0)
    bn = (lin - mu) * jax.lax.rsqrt(var + eps) * bn_gamma + bn_beta
    # nn.LayerNorm(F): normalize over last dim
    m = jnp.mean(bn, axis=-1, keepdims=True)
    v = jnp.var(bn, axis=-1, keepdims=True)
    ln = (bn - m) * jax.lax.rsqrt(v + eps) * ln_gamma + ln_beta
    return ln

if __name__ == "__main__":
    import jax
    _d = setup_inputs()
    print(jax.jit(kernel)(*tuple(_d.values())))

</pallas_src>

<mosaic_0001>
#map = affine_map<(d0, d1) -> (0)>
#map1 = affine_map<(d0, d1) -> (0, 0)>
#map2 = affine_map<(d0, d1) -> (0, 0, 0)>
module attributes {stable_mosaic.version = 14 : i64} {
  func.func @_embedder_body(%arg0: i32, %arg1: i32, %arg2: memref<16384xi32, #tpu.memory_space<hbm>>, %arg3: memref<1000448xf32, #tpu.memory_space<hbm>>, %arg4: memref<6x16xf32, #tpu.memory_space<hbm>>, %arg5: memref<16384xf32, #tpu.memory_space<hbm>>, %arg6: memref<16x2x16xf32, #tpu.memory_space<hbm>>, %arg7: memref<1024xi32, #tpu.memory_space<vmem>>, %arg8: memref<1024xf32, #tpu.memory_space<vmem>>, %arg9: memref<6x16xf32, #tpu.memory_space<vmem>>, %arg10: memref<2x16xf32, #tpu.memory_space<vmem>>, %arg11: memref<16x2x16xf32, #tpu.memory_space<vmem>>, %arg12: memref<1024xf32, #tpu.memory_space<vmem>>, %arg13: memref<!tpu.dma_semaphore, #tpu.memory_space<semaphore_mem>>) attributes {dimension_semantics = [#tpu.dimension_semantics<core_parallel>, #tpu.dimension_semantics<subcore_parallel>], iteration_bounds = array<i64: 1, 16>, scalar_prefetch = 0 : i64, scratch_operands = 7 : i64, tpu.core_type = #tpu.core_type<sc_vector_subcore>, window_params = [{transform_indices = #map}, {transform_indices = #map}, {transform_indices = #map1}, {transform_indices = #map}, {transform_indices = #map2}]} {
    %mul3A = arith.constant 1024 : i32
    %mul3A_0 = arith.muli %arg1, %mul3A : i32
    "tpu.region"() ({
      %run_scoped3A = tpu.sem_alloc : memref<!tpu.dma_semaphore, #tpu.memory_space<semaphore_mem>>
      %dma_start3A_301 = tpu.memref_slice %arg2[%mul3A_0] : memref<16384xi32, #tpu.memory_space<hbm>> -> memref<1024xi32, #tpu.memory_space<hbm>>
      %dma_start3A_302 = tpu.memref_slice %arg2[%mul3A_0] : memref<16384xi32, #tpu.memory_space<hbm>> -> memref<1024xi32, #tpu.memory_space<hbm>>
      tpu.enqueue_dma source(%dma_start3A_302 : memref<1024xi32, #tpu.memory_space<hbm>>) target(%arg7 : memref<1024xi32, #tpu.memory_space<vmem>>) target_semaphore(%run_scoped3A : memref<!tpu.dma_semaphore, #tpu.memory_space<semaphore_mem>>)
      %dma_wait3A_303 = tpu.memref_slice %arg2[%mul3A_0] : memref<16384xi32, #tpu.memory_space<hbm>> -> memref<1024xi32, #tpu.memory_space<hbm>>
      %dma_wait3A_304 = tpu.memref_slice %arg2[%mul3A_0] : memref<16384xi32, #tpu.memory_space<hbm>> -> memref<1024xi32, #tpu.memory_space<hbm>>
      tpu.wait_dma2 semaphore(%run_scoped3A : memref<!tpu.dma_semaphore, #tpu.memory_space<semaphore_mem>>) src(%dma_wait3A_304 : memref<1024xi32, #tpu.memory_space<hbm>>) dst(%arg7 : memref<1024xi32, #tpu.memory_space<vmem>>)
      tpu.yield
    }) : () -> ()
    %dma_start3A = arith.constant 0 : i32
    %dma_start3A_1 = tpu.memref_slice %arg8[%dma_start3A] : memref<1024xf32, #tpu.memory_space<vmem>> -> memref<128xf32, #tpu.memory_space<vmem>>
    %dma_start3A_2 = arith.constant 0 : i32
    %dma_start3A_3 = tpu.memref_slice %arg7[%dma_start3A_2] : memref<1024xi32, #tpu.memory_space<vmem>> -> memref<128xi32, #tpu.memory_space<vmem>>
    %dma_start3A_4 = arith.constant 0 : i32
    %dma_start3A_5 = tpu.memref_slice %arg3[%dma_start3A_4] : memref<1000448xf32, #tpu.memory_space<hbm>> -> memref<1000448xf32, #tpu.memory_space<hbm>>
    tpu.enqueue_indirect_dma source(%dma_start3A_5 : memref<1000448xf32, #tpu.memory_space<hbm>>) target(%dma_start3A_1 : memref<128xf32, #tpu.memory_space<vmem>>) offsets(%dma_start3A_3 : memref<128xi32, #tpu.memory_space<vmem>>) semaphore(%arg13 : memref<!tpu.dma_semaphore, #tpu.memory_space<semaphore_mem>>)
    %dma_start3A_6 = arith.constant 128 : i32
    %dma_start3A_7 = tpu.memref_slice %arg8[%dma_start3A_6] : memref<1024xf32, #tpu.memory_space<vmem>> -> memref<128xf32, #tpu.memory_space<vmem>>
    %dma_start3A_8 = arith.constant 128 : i32
    %dma_start3A_9 = tpu.memref_slice %arg7[%dma_start3A_8] : memref<1024xi32, #tpu.memory_space<vmem>> -> memref<128xi32, #tpu.memory_space<vmem>>
    %dma_start3A_10 = arith.constant 0 : i32
    %dma_start3A_11 = tpu.memref_slice %arg3[%dma_start3A_10] : memref<1000448xf32, #tpu.memory_space<hbm>> -> memref<1000448xf32, #tpu.memory_space<hbm>>
    tpu.enqueue_indirect_dma source(%dma_start3A_11 : memref<1000448xf32, #tpu.memory_space<hbm>>) target(%dma_start3A_7 : memref<128xf32, #tpu.memory_space<vmem>>) offsets(%dma_start3A_9 : memref<128xi32, #tpu.memory_space<vmem>>) semaphore(%arg13 : memref<!tpu.dma_semaphore, #tpu.memory_space<semaphore_mem>>)
    %dma_start3A_12 = arith.constant 256 : i32
    %dma_start3A_13 = tpu.memref_slice %arg8[%dma_start3A_12] : memref<1024xf32, #tpu.memory_space<vmem>> -> memref<128xf32, #tpu.memory_space<vmem>>
    %dma_start3A_14 = arith.constant 256 : i32
    %dma_start3A_15 = tpu.memref_slice %arg7[%dma_start3A_14] : memref<1024xi32, #tpu.memory_space<vmem>> -> memref<128xi32, #tpu.memory_space<vmem>>
    %dma_start3A_16 = arith.constant 0 : i32
    %dma_start3A_17 = tpu.memref_slice %arg3[%dma_start3A_16] : memref<1000448xf32, #tpu.memory_space<hbm>> -> memref<1000448xf32, #tpu.memory_space<hbm>>
    tpu.enqueue_indirect_dma source(%dma_start3A_17 : memref<1000448xf32, #tpu.memory_space<hbm>>) target(%dma_start3A_13 : memref<128xf32, #tpu.memory_space<vmem>>) offsets(%dma_start3A_15 : memref<128xi32, #tpu.memory_space<vmem>>) semaphore(%arg13 : memref<!tpu.dma_semaphore, #tpu.memory_space<semaphore_mem>>)
    %dma_start3A_18 = arith.constant 384 : i32
    %dma_start3A_19 = tpu.memref_slice %arg8[%dma_start3A_18] : memref<1024xf32, #tpu.memory_space<vmem>> -> memref<128xf32, #tpu.memory_space<vmem>>
    %dma_start3A_20 = arith.constant 384 : i32
    %dma_start3A_21 = tpu.memref_slice %arg7[%dma_start3A_20] : memref<1024xi32, #tpu.memory_space<vmem>> -> memref<128xi32, #tpu.memory_space<vmem>>
    %dma_start3A_22 = arith.constant 0 : i32
    %dma_start3A_23 = tpu.memref_slice %arg3[%dma_start3A_22] : memref<1000448xf32, #tpu.memory_space<hbm>> -> memref<1000448xf32, #tpu.memory_space<hbm>>
    tpu.enqueue_indirect_dma source(%dma_start3A_23 : memref<1000448xf32, #tpu.memory_space<hbm>>) target(%dma_start3A_19 : memref<128xf32, #tpu.memory_space<vmem>>) offsets(%dma_start3A_21 : memref<128xi32, #tpu.memory_space<vmem>>) semaphore(%arg13 : memref<!tpu.dma_semaphore, #tpu.memory_space<semaphore_mem>>)
    %dma_start3A_24 = arith.constant 512 : i32
    %dma_start3A_25 = tpu.memref_slice %arg8[%dma_start3A_24] : memref<1024xf32, #tpu.memory_space<vmem>> -> memref<128xf32, #tpu.memory_space<vmem>>
    %dma_start3A_26 = arith.constant 512 : i32
    %dma_start3A_27 = tpu.memref_slice %arg7[%dma_start3A_26] : memref<1024xi32, #tpu.memory_space<vmem>> -> memref<128xi32, #tpu.memory_space<vmem>>
    %dma_start3A_28 = arith.constant 0 : i32
    %dma_start3A_29 = tpu.memref_slice %arg3[%dma_start3A_28] : memref<1000448xf32, #tpu.memory_space<hbm>> -> memref<1000448xf32, #tpu.memory_space<hbm>>
    tpu.enqueue_indirect_dma source(%dma_start3A_29 : memref<1000448xf32, #tpu.memory_space<hbm>>) target(%dma_start3A_25 : memref<128xf32, #tpu.memory_space<vmem>>) offsets(%dma_start3A_27 : memref<128xi32, #tpu.memory_space<vmem>>) semaphore(%arg13 : memref<!tpu.dma_semaphore, #tpu.memory_space<semaphore_mem>>)
    %dma_start3A_30 = arith.constant 640 : i32
    %dma_start3A_31 = tpu.memref_slice %arg8[%dma_start3A_30] : memref<1024xf32, #tpu.memory_space<vmem>> -> memref<128xf32, #tpu.memory_space<vmem>>
    %dma_start3A_32 = arith.constant 640 : i32
    %dma_start3A_33 = tpu.memref_slice %arg7[%dma_start3A_32] : memref<1024xi32, #tpu.memory_space<vmem>> -> memref<128xi32, #tpu.memory_space<vmem>>
    %dma_start3A_34 = arith.constant 0 : i32
    %dma_start3A_35 = tpu.memref_slice %arg3[%dma_start3A_34] : memref<1000448xf32, #tpu.memory_space<hbm>> -> memref<1000448xf32, #tpu.memory_space<hbm>>
    tpu.enqueue_indirect_dma source(%dma_start3A_35 : memref<1000448xf32, #tpu.memory_space<hbm>>) target(%dma_start3A_31 : memref<128xf32, #tpu.memory_space<vmem>>) offsets(%dma_start3A_33 : memref<128xi32, #tpu.memory_space<vmem>>) semaphore(%arg13 : memref<!tpu.dma_semaphore, #tpu.memory_space<semaphore_mem>>)
    %dma_start3A_36 = arith.constant 768 : i32
    %dma_start3A_37 = tpu.memref_slice %arg8[%dma_start3A_36] : memref<1024xf32, #tpu.memory_space<vmem>> -> memref<128xf32, #tpu.memory_space<vmem>>
    %dma_start3A_38 = arith.constant 768 : i32
    %dma_start3A_39 = tpu.memref_slice %arg7[%dma_start3A_38] : memref<1024xi32, #tpu.memory_space<vmem>> -> memref<128xi32, #tpu.memory_space<vmem>>
    %dma_start3A_40 = arith.constant 0 : i32
    %dma_start3A_41 = tpu.memref_slice %arg3[%dma_start3A_40] : memref<1000448xf32, #tpu.memory_space<hbm>> -> memref<1000448xf32, #tpu.memory_space<hbm>>
    tpu.enqueue_indirect_dma source(%dma_start3A_41 : memref<1000448xf32, #tpu.memory_space<hbm>>) target(%dma_start3A_37 : memref<128xf32, #tpu.memory_space<vmem>>) offsets(%dma_start3A_39 : memref<128xi32, #tpu.memory_space<vmem>>) semaphore(%arg13 : memref<!tpu.dma_semaphore, #tpu.memory_space<semaphore_mem>>)
    %dma_start3A_42 = arith.constant 896 : i32
    %dma_start3A_43 = tpu.memref_slice %arg8[%dma_start3A_42] : memref<1024xf32, #tpu.memory_space<vmem>> -> memref<128xf32, #tpu.memory_space<vmem>>
    %dma_start3A_44 = arith.constant 896 : i32
    %dma_start3A_45 = tpu.memref_slice %arg7[%dma_start3A_44] : memref<1024xi32, #tpu.memory_space<vmem>> -> memref<128xi32, #tpu.memory_space<vmem>>
    %dma_start3A_46 = arith.constant 0 : i32
    %dma_start3A_47 = tpu.memref_slice %arg3[%dma_start3A_46] : memref<1000448xf32, #tpu.memory_space<hbm>> -> memref<1000448xf32, #tpu.memory_space<hbm>>
    tpu.enqueue_indirect_dma source(%dma_start3A_47 : memref<1000448xf32, #tpu.memory_space<hbm>>) target(%dma_start3A_43 : memref<128xf32, #tpu.memory_space<vmem>>) offsets(%dma_start3A_45 : memref<128xi32, #tpu.memory_space<vmem>>) semaphore(%arg13 : memref<!tpu.dma_semaphore, #tpu.memory_space<semaphore_mem>>)
    "tpu.region"() ({
      %run_scoped3A = tpu.sem_alloc : memref<!tpu.dma_semaphore, #tpu.memory_space<semaphore_mem>>
      tpu.enqueue_dma source(%arg4 : memref<6x16xf32, #tpu.memory_space<hbm>>) target(%arg9 : memref<6x16xf32, #tpu.memory_space<vmem>>) target_semaphore(%run_scoped3A : memref<!tpu.dma_semaphore, #tpu.memory_space<semaphore_mem>>)
      tpu.wait_dma2 semaphore(%run_scoped3A : memref<!tpu.dma_semaphore, #tpu.memory_space<semaphore_mem>>) src(%arg4 : memref<6x16xf32, #tpu.memory_space<hbm>>) dst(%arg9 : memref<6x16xf32, #tpu.memory_space<vmem>>)
      tpu.yield
    }) : () -> ()
    %broadcast_in_dim3A = arith.constant 0.000000e+00 : f32
    %broadcast_in_dim3A_48 = vector.broadcast %broadcast_in_dim3A : f32 to vector<16xf32>
    %dma_wait3A = arith.constant 0 : i32
    %dma_wait3A_49 = tpu.memref_slice %arg8[%dma_wait3A] : memref<1024xf32, #tpu.memory_space<vmem>> -> memref<128xf32, #tpu.memory_space<vmem>>
    %dma_wait3A_50 = arith.constant 0 : i32
    %dma_wait3A_51 = tpu.memref_slice %arg7[%dma_wait3A_50] : memref<1024xi32, #tpu.memory_space<vmem>> -> memref<128xi32, #tpu.memory_space<vmem>>
    %dma_wait3A_52 = arith.constant 0 : i32
    %dma_wait3A_53 = tpu.memref_slice %arg3[%dma_wait3A_52] : memref<1000448xf32, #tpu.memory_space<hbm>> -> memref<1000448xf32, #tpu.memory_space<hbm>>
    tpu.wait_indirect_dma semaphore(%arg13 : memref<!tpu.dma_semaphore, #tpu.memory_space<semaphore_mem>>) src(%dma_wait3A_53 : memref<1000448xf32, #tpu.memory_space<hbm>>) dst(%dma_wait3A_49 : memref<128xf32, #tpu.memory_space<vmem>>)
    %scan3A = arith.constant 0 : i32
    %scan3A_54 = arith.constant 8 : i32
    %scan3A_55 = arith.addi %scan3A, %scan3A_54 : i32
    %scan3A_56 = arith.constant 1 : i32
    %scan3A_57:2 = scf.for %scan3A_301 = %scan3A to %scan3A_55 step %scan3A_56 iter_args(%scan3A_302 = %broadcast_in_dim3A_48, %scan3A_303 = %broadcast_in_dim3A_48) -> (vector<16xf32>, vector<16xf32>)  : i32 {
      %mul3A_304 = arith.constant 16 : i32
      %mul3A_305 = arith.muli %scan3A_301, %mul3A_304 : i32
      %get3A_306 = arith.index_cast %mul3A_305 : i32 to index
      %get3A_307 = tpu.vector_load %arg8[%get3A_306] {strides = array<i32>} : memref<1024xf32, #tpu.memory_space<vmem>>, vector<16xf32>,
      %get3A_308 = vector.shape_cast %get3A_307 : vector<16xf32> to vector<16xf32>
      %add3A_309 = arith.addf %scan3A_302, %get3A_308 : vector<16xf32>
      %mul3A_310 = arith.mulf %get3A_308, %get3A_308 : vector<16xf32>
      %add3A_311 = arith.addf %scan3A_303, %mul3A_310 : vector<16xf32>
      scf.yield %add3A_309, %add3A_311 : vector<16xf32>, vector<16xf32>
    }
    %scan3A_58 = arith.constant 8 : i32
    %dma_wait3A_59 = arith.constant 128 : i32
    %dma_wait3A_60 = tpu.memref_slice %arg8[%dma_wait3A_59] : memref<1024xf32, #tpu.memory_space<vmem>> -> memref<128xf32, #tpu.memory_space<vmem>>
    %dma_wait3A_61 = arith.constant 128 : i32
    %dma_wait3A_62 = tpu.memref_slice %arg7[%dma_wait3A_61] : memref<1024xi32, #tpu.memory_space<vmem>> -> memref<128xi32, #tpu.memory_space<vmem>>
    %dma_wait3A_63 = arith.constant 0 : i32
    %dma_wait3A_64 = tpu.memref_slice %arg3[%dma_wait3A_63] : memref<1000448xf32, #tpu.memory_space<hbm>> -> memref<1000448xf32, #tpu.memory_space<hbm>>
    tpu.wait_indirect_dma semaphore(%arg13 : memref<!tpu.dma_semaphore, #tpu.memory_space<semaphore_mem>>) src(%dma_wait3A_64 : memref<1000448xf32, #tpu.memory_space<hbm>>) dst(%dma_wait3A_60 : memref<128xf32, #tpu.memory_space<vmem>>)
    %scan3A_65 = arith.constant 8 : i32
    %scan3A_66 = arith.constant 8 : i32
    %scan3A_67 = arith.addi %scan3A_65, %scan3A_66 : i32
    %scan3A_68 = arith.constant 1 : i32
    %scan3A_69:2 = scf.for %scan3A_301 = %scan3A_65 to %scan3A_67 step %scan3A_68 iter_args(%scan3A_302 = %scan3A_57#0, %scan3A_303 = %scan3A_57#1) -> (vector<16xf32>, vector<16xf32>)  : i32 {
      %mul3A_304 = arith.constant 16 : i32
      %mul3A_305 = arith.muli %scan3A_301, %mul3A_304 : i32
      %get3A_306 = arith.index_cast %mul3A_305 : i32 to index
      %get3A_307 = tpu.vector_load %arg8[%get3A_306] {strides = array<i32>} : memref<1024xf32, #tpu.memory_space<vmem>>, vector<16xf32>,
      %get3A_308 = vector.shape_cast %get3A_307 : vector<16xf32> to vector<16xf32>
      %add3A_309 = arith.addf %scan3A_302, %get3A_308 : vector<16xf32>
      %mul3A_310 = arith.mulf %get3A_308, %get3A_308 : vector<16xf32>
      %add3A_311 = arith.addf %scan3A_303, %mul3A_310 : vector<16xf32>
      scf.yield %add3A_309, %add3A_311 : vector<16xf32>, vector<16xf32>
    }
    %scan3A_70 = arith.constant 8 : i32
    %dma_wait3A_71 = arith.constant 256 : i32
    %dma_wait3A_72 = tpu.memref_slice %arg8[%dma_wait3A_71] : memref<1024xf32, #tpu.memory_space<vmem>> -> memref<128xf32, #tpu.memory_space<vmem>>
    %dma_wait3A_73 = arith.constant 256 : i32
    %dma_wait3A_74 = tpu.memref_slice %arg7[%dma_wait3A_73] : memref<1024xi32, #tpu.memory_space<vmem>> -> memref<128xi32, #tpu.memory_space<vmem>>
    %dma_wait3A_75 = arith.constant 0 : i32
    %dma_wait3A_76 = tpu.memref_slice %arg3[%dma_wait3A_75] : memref<1000448xf32, #tpu.memory_space<hbm>> -> memref<1000448xf32, #tpu.memory_space<hbm>>
    tpu.wait_indirect_dma semaphore(%arg13 : memref<!tpu.dma_semaphore, #tpu.memory_space<semaphore_mem>>) src(%dma_wait3A_76 : memref<1000448xf32, #tpu.memory_space<hbm>>) dst(%dma_wait3A_72 : memref<128xf32, #tpu.memory_space<vmem>>)
    %scan3A_77 = arith.constant 16 : i32
    %scan3A_78 = arith.constant 8 : i32
    %scan3A_79 = arith.addi %scan3A_77, %scan3A_78 : i32
    %scan3A_80 = arith.constant 1 : i32
    %scan3A_81:2 = scf.for %scan3A_301 = %scan3A_77 to %scan3A_79 step %scan3A_80 iter_args(%scan3A_302 = %scan3A_69#0, %scan3A_303 = %scan3A_69#1) -> (vector<16xf32>, vector<16xf32>)  : i32 {
      %mul3A_304 = arith.constant 16 : i32
      %mul3A_305 = arith.muli %scan3A_301, %mul3A_304 : i32
      %get3A_306 = arith.index_cast %mul3A_305 : i32 to index
      %get3A_307 = tpu.vector_load %arg8[%get3A_306] {strides = array<i32>} : memref<1024xf32, #tpu.memory_space<vmem>>, vector<16xf32>,
      %get3A_308 = vector.shape_cast %get3A_307 : vector<16xf32> to vector<16xf32>
      %add3A_309 = arith.addf %scan3A_302, %get3A_308 : vector<16xf32>
      %mul3A_310 = arith.mulf %get3A_308, %get3A_308 : vector<16xf32>
      %add3A_311 = arith.addf %scan3A_303, %mul3A_310 : vector<16xf32>
      scf.yield %add3A_309, %add3A_311 : vector<16xf32>, vector<16xf32>
    }
    %scan3A_82 = arith.constant 8 : i32
    %dma_wait3A_83 = arith.constant 384 : i32
    %dma_wait3A_84 = tpu.memref_slice %arg8[%dma_wait3A_83] : memref<1024xf32, #tpu.memory_space<vmem>> -> memref<128xf32, #tpu.memory_space<vmem>>
    %dma_wait3A_85 = arith.constant 384 : i32
    %dma_wait3A_86 = tpu.memref_slice %arg7[%dma_wait3A_85] : memref<1024xi32, #tpu.memory_space<vmem>> -> memref<128xi32, #tpu.memory_space<vmem>>
    %dma_wait3A_87 = arith.constant 0 : i32
    %dma_wait3A_88 = tpu.memref_slice %arg3[%dma_wait3A_87] : memref<1000448xf32, #tpu.memory_space<hbm>> -> memref<1000448xf32, #tpu.memory_space<hbm>>
    tpu.wait_indirect_dma semaphore(%arg13 : memref<!tpu.dma_semaphore, #tpu.memory_space<semaphore_mem>>) src(%dma_wait3A_88 : memref<1000448xf32, #tpu.memory_space<hbm>>) dst(%dma_wait3A_84 : memref<128xf32, #tpu.memory_space<vmem>>)
    %scan3A_89 = arith.constant 24 : i32
    %scan3A_90 = arith.constant 8 : i32
    %scan3A_91 = arith.addi %scan3A_89, %scan3A_90 : i32
    %scan3A_92 = arith.constant 1 : i32
    %scan3A_93:2 = scf.for %scan3A_301 = %scan3A_89 to %scan3A_91 step %scan3A_92 iter_args(%scan3A_302 = %scan3A_81#0, %scan3A_303 = %scan3A_81#1) -> (vector<16xf32>, vector<16xf32>)  : i32 {
      %mul3A_304 = arith.constant 16 : i32
      %mul3A_305 = arith.muli %scan3A_301, %mul3A_304 : i32
      %get3A_306 = arith.index_cast %mul3A_305 : i32 to index
      %get3A_307 = tpu.vector_load %arg8[%get3A_306] {strides = array<i32>} : memref<1024xf32, #tpu.memory_space<vmem>>, vector<16xf32>,
      %get3A_308 = vector.shape_cast %get3A_307 : vector<16xf32> to vector<16xf32>
      %add3A_309 = arith.addf %scan3A_302, %get3A_308 : vector<16xf32>
      %mul3A_310 = arith.mulf %get3A_308, %get3A_308 : vector<16xf32>
      %add3A_311 = arith.addf %scan3A_303, %mul3A_310 : vector<16xf32>
      scf.yield %add3A_309, %add3A_311 : vector<16xf32>, vector<16xf32>
    }
    %scan3A_94 = arith.constant 8 : i32
    %dma_wait3A_95 = arith.constant 512 : i32
    %dma_wait3A_96 = tpu.memref_slice %arg8[%dma_wait3A_95] : memref<1024xf32, #tpu.memory_space<vmem>> -> memref<128xf32, #tpu.memory_space<vmem>>
    %dma_wait3A_97 = arith.constant 512 : i32
    %dma_wait3A_98 = tpu.memref_slice %arg7[%dma_wait3A_97] : memref<1024xi32, #tpu.memory_space<vmem>> -> memref<128xi32, #tpu.memory_space<vmem>>
    %dma_wait3A_99 = arith.constant 0 : i32
    %dma_wait3A_100 = tpu.memref_slice %arg3[%dma_wait3A_99] : memref<1000448xf32, #tpu.memory_space<hbm>> -> memref<1000448xf32, #tpu.memory_space<hbm>>
    tpu.wait_indirect_dma semaphore(%arg13 : memref<!tpu.dma_semaphore, #tpu.memory_space<semaphore_mem>>) src(%dma_wait3A_100 : memref<1000448xf32, #tpu.memory_space<hbm>>) dst(%dma_wait3A_96 : memref<128xf32, #tpu.memory_space<vmem>>)
    %scan3A_101 = arith.constant 32 : i32
    %scan3A_102 = arith.constant 8 : i32
    %scan3A_103 = arith.addi %scan3A_101, %scan3A_102 : i32
    %scan3A_104 = arith.constant 1 : i32
    %scan3A_105:2 = scf.for %scan3A_301 = %scan3A_101 to %scan3A_103 step %scan3A_104 iter_args(%scan3A_302 = %scan3A_93#0, %scan3A_303 = %scan3A_93#1) -> (vector<16xf32>, vector<16xf32>)  : i32 {
      %mul3A_304 = arith.constant 16 : i32
      %mul3A_305 = arith.muli %scan3A_301, %mul3A_304 : i32
      %get3A_306 = arith.index_cast %mul3A_305 : i32 to index
      %get3A_307 = tpu.vector_load %arg8[%get3A_306] {strides = array<i32>} : memref<1024xf32, #tpu.memory_space<vmem>>, vector<16xf32>,
      %get3A_308 = vector.shape_cast %get3A_307 : vector<16xf32> to vector<16xf32>
      %add3A_309 = arith.addf %scan3A_302, %get3A_308 : vector<16xf32>
      %mul3A_310 = arith.mulf %get3A_308, %get3A_308 : vector<16xf32>
      %add3A_311 = arith.addf %scan3A_303, %mul3A_310 : vector<16xf32>
      scf.yield %add3A_309, %add3A_311 : vector<16xf32>, vector<16xf32>
    }
    %scan3A_106 = arith.constant 8 : i32
    %dma_wait3A_107 = arith.constant 640 : i32
    %dma_wait3A_108 = tpu.memref_slice %arg8[%dma_wait3A_107] : memref<1024xf32, #tpu.memory_space<vmem>> -> memref<128xf32, #tpu.memory_space<vmem>>
    %dma_wait3A_109 = arith.constant 640 : i32
    %dma_wait3A_110 = tpu.memref_slice %arg7[%dma_wait3A_109] : memref<1024xi32, #tpu.memory_space<vmem>> -> memref<128xi32, #tpu.memory_space<vmem>>
    %dma_wait3A_111 = arith.constant 0 : i32
    %dma_wait3A_112 = tpu.memref_slice %arg3[%dma_wait3A_111] : memref<1000448xf32, #tpu.memory_space<hbm>> -> memref<1000448xf32, #tpu.memory_space<hbm>>
    tpu.wait_indirect_dma semaphore(%arg13 : memref<!tpu.dma_semaphore, #tpu.memory_space<semaphore_mem>>) src(%dma_wait3A_112 : memref<1000448xf32, #tpu.memory_space<hbm>>) dst(%dma_wait3A_108 : memref<128xf32, #tpu.memory_space<vmem>>)
    %scan3A_113 = arith.constant 40 : i32
    %scan3A_114 = arith.constant 8 : i32
    %scan3A_115 = arith.addi %scan3A_113, %scan3A_114 : i32
    %scan3A_116 = arith.constant 1 : i32
    %scan3A_117:2 = scf.for %scan3A_301 = %scan3A_113 to %scan3A_115 step %scan3A_116 iter_args(%scan3A_302 = %scan3A_105#0, %scan3A_303 = %scan3A_105#1) -> (vector<16xf32>, vector<16xf32>)  : i32 {
      %mul3A_304 = arith.constant 16 : i32
      %mul3A_305 = arith.muli %scan3A_301, %mul3A_304 : i32
      %get3A_306 = arith.index_cast %mul3A_305 : i32 to index
      %get3A_307 = tpu.vector_load %arg8[%get3A_306] {strides = array<i32>} : memref<1024xf32, #tpu.memory_space<vmem>>, vector<16xf32>,
      %get3A_308 = vector.shape_cast %get3A_307 : vector<16xf32> to vector<16xf32>
      %add3A_309 = arith.addf %scan3A_302, %get3A_308 : vector<16xf32>
      %mul3A_310 = arith.mulf %get3A_308, %get3A_308 : vector<16xf32>
      %add3A_311 = arith.addf %scan3A_303, %mul3A_310 : vector<16xf32>
      scf.yield %add3A_309, %add3A_311 : vector<16xf32>, vector<16xf32>
    }
    %scan3A_118 = arith.constant 8 : i32
    %dma_wait3A_119 = arith.constant 768 : i32
    %dma_wait3A_120 = tpu.memref_slice %arg8[%dma_wait3A_119] : memref<1024xf32, #tpu.memory_space<vmem>> -> memref<128xf32, #tpu.memory_space<vmem>>
    %dma_wait3A_121 = arith.constant 768 : i32
    %dma_wait3A_122 = tpu.memref_slice %arg7[%dma_wait3A_121] : memref<1024xi32, #tpu.memory_space<vmem>> -> memref<128xi32, #tpu.memory_space<vmem>>
    %dma_wait3A_123 = arith.constant 0 : i32
    %dma_wait3A_124 = tpu.memref_slice %arg3[%dma_wait3A_123] : memref<1000448xf32, #tpu.memory_space<hbm>> -> memref<1000448xf32, #tpu.memory_space<hbm>>
    tpu.wait_indirect_dma semaphore(%arg13 : memref<!tpu.dma_semaphore, #tpu.memory_space<semaphore_mem>>) src(%dma_wait3A_124 : memref<1000448xf32, #tpu.memory_space<hbm>>) dst(%dma_wait3A_120 : memref<128xf32, #tpu.memory_space<vmem>>)
    %scan3A_125 = arith.constant 48 : i32
    %scan3A_126 = arith.constant 8 : i32
    %scan3A_127 = arith.addi %scan3A_125, %scan3A_126 : i32
    %scan3A_128 = arith.constant 1 : i32
    %scan3A_129:2 = scf.for %scan3A_301 = %scan3A_125 to %scan3A_127 step %scan3A_128 iter_args(%scan3A_302 = %scan3A_117#0, %scan3A_303 = %scan3A_117#1) -> (vector<16xf32>, vector<16xf32>)  : i32 {
      %mul3A_304 = arith.constant 16 : i32
      %mul3A_305 = arith.muli %scan3A_301, %mul3A_304 : i32
      %get3A_306 = arith.index_cast %mul3A_305 : i32 to index
      %get3A_307 = tpu.vector_load %arg8[%get3A_306] {strides = array<i32>} : memref<1024xf32, #tpu.memory_space<vmem>>, vector<16xf32>,
      %get3A_308 = vector.shape_cast %get3A_307 : vector<16xf32> to vector<16xf32>
      %add3A_309 = arith.addf %scan3A_302, %get3A_308 : vector<16xf32>
      %mul3A_310 = arith.mulf %get3A_308, %get3A_308 : vector<16xf32>
      %add3A_311 = arith.addf %scan3A_303, %mul3A_310 : vector<16xf32>
      scf.yield %add3A_309, %add3A_311 : vector<16xf32>, vector<16xf32>
    }
    %scan3A_130 = arith.constant 8 : i32
    %dma_wait3A_131 = arith.constant 896 : i32
    %dma_wait3A_132 = tpu.memref_slice %arg8[%dma_wait3A_131] : memref<1024xf32, #tpu.memory_space<vmem>> -> memref<128xf32, #tpu.memory_space<vmem>>
    %dma_wait3A_133 = arith.constant 896 : i32
    %dma_wait3A_134 = tpu.memref_slice %arg7[%dma_wait3A_133] : memref<1024xi32, #tpu.memory_space<vmem>> -> memref<128xi32, #tpu.memory_space<vmem>>
    %dma_wait3A_135 = arith.constant 0 : i32
    %dma_wait3A_136 = tpu.memref_slice %arg3[%dma_wait3A_135] : memref<1000448xf32, #tpu.memory_space<hbm>> -> memref<1000448xf32, #tpu.memory_space<hbm>>
    tpu.wait_indirect_dma semaphore(%arg13 : memref<!tpu.dma_semaphore, #tpu.memory_space<semaphore_mem>>) src(%dma_wait3A_136 : memref<1000448xf32, #tpu.memory_space<hbm>>) dst(%dma_wait3A_132 : memref<128xf32, #tpu.memory_space<vmem>>)
    %scan3A_137 = arith.constant 56 : i32
    %scan3A_138 = arith.constant 8 : i32
    %scan3A_139 = arith.addi %scan3A_137, %scan3A_138 : i32
    %scan3A_140 = arith.constant 1 : i32
    %scan3A_141:2 = scf.for %scan3A_301 = %scan3A_137 to %scan3A_139 step %scan3A_140 iter_args(%scan3A_302 = %scan3A_129#0, %scan3A_303 = %scan3A_129#1) -> (vector<16xf32>, vector<16xf32>)  : i32 {
      %mul3A_304 = arith.constant 16 : i32
      %mul3A_305 = arith.muli %scan3A_301, %mul3A_304 : i32
      %get3A_306 = arith.index_cast %mul3A_305 : i32 to index
      %get3A_307 = tpu.vector_load %arg8[%get3A_306] {strides = array<i32>} : memref<1024xf32, #tpu.memory_space<vmem>>, vector<16xf32>,
      %get3A_308 = vector.shape_cast %get3A_307 : vector<16xf32> to vector<16xf32>
      %add3A_309 = arith.addf %scan3A_302, %get3A_308 : vector<16xf32>
      %mul3A_310 = arith.mulf %get3A_308, %get3A_308 : vector<16xf32>
      %add3A_311 = arith.addf %scan3A_303, %mul3A_310 : vector<16xf32>
      scf.yield %add3A_309, %add3A_311 : vector<16xf32>, vector<16xf32>
    }
    %scan3A_142 = arith.constant 8 : i32
    %swap3A = arith.constant 0 : i32
    %swap3A_143 = arith.index_cast %swap3A : i32 to index
    %swap3A_144 = arith.constant 0 : index
    %swap3A_145 = tpu.vector_load %arg10[%swap3A_143, %swap3A_144] {strides = array<i32>} : memref<2x16xf32, #tpu.memory_space<vmem>>, vector<1x16xf32>,
    %swap3A_146 = vector.shape_cast %swap3A_145 : vector<1x16xf32> to vector<16xf32>
    %swap3A_147 = vector.shape_cast %scan3A_141#0 : vector<16xf32> to vector<1x16xf32>
    tpu.vector_store %arg10[%swap3A_143, %swap3A_144], %swap3A_147 {strides = array<i32>} : memref<2x16xf32, #tpu.memory_space<vmem>>, vector<1x16xf32>,
    %swap3A_148 = arith.constant 1 : i32
    %swap3A_149 = arith.index_cast %swap3A_148 : i32 to index
    %swap3A_150 = arith.constant 0 : index
    %swap3A_151 = tpu.vector_load %arg10[%swap3A_149, %swap3A_150] {strides = array<i32>} : memref<2x16xf32, #tpu.memory_space<vmem>>, vector<1x16xf32>,
    %swap3A_152 = vector.shape_cast %swap3A_151 : vector<1x16xf32> to vector<16xf32>
    %swap3A_153 = vector.shape_cast %scan3A_141#1 : vector<16xf32> to vector<1x16xf32>
    tpu.vector_store %arg10[%swap3A_149, %swap3A_150], %swap3A_153 {strides = array<i32>} : memref<2x16xf32, #tpu.memory_space<vmem>>, vector<1x16xf32>,
    "tpu.region"() ({
      %run_scoped3A = tpu.sem_alloc : memref<!tpu.dma_semaphore, #tpu.memory_space<semaphore_mem>>
      %dma_start3A_301 = arith.constant 0 : i32
      %dma_start3A_302 = arith.constant 0 : i32
      %dma_start3A_303 = tpu.memref_slice %arg6[%arg1, %dma_start3A_301, %dma_start3A_302] : memref<16x2x16xf32, #tpu.memory_space<hbm>> -> memref<1x2x16xf32, #tpu.memory_space<hbm>>
      %dma_start3A_304 = tpu.memref_squeeze %dma_start3A_303 : memref<1x2x16xf32, #tpu.memory_space<hbm>> -> memref<2x16xf32, #tpu.memory_space<hbm>>
      %dma_start3A_305 = arith.constant 0 : i32
      %dma_start3A_306 = arith.constant 0 : i32
      %dma_start3A_307 = tpu.memref_slice %arg6[%arg1, %dma_start3A_305, %dma_start3A_306] : memref<16x2x16xf32, #tpu.memory_space<hbm>> -> memref<1x2x16xf32, #tpu.memory_space<hbm>>
      %dma_start3A_308 = tpu.memref_squeeze %dma_start3A_307 : memref<1x2x16xf32, #tpu.memory_space<hbm>> -> memref<2x16xf32, #tpu.memory_space<hbm>>
      tpu.enqueue_dma source(%arg10 : memref<2x16xf32, #tpu.memory_space<vmem>>) target(%dma_start3A_308 : memref<2x16xf32, #tpu.memory_space<hbm>>) target_semaphore(%run_scoped3A : memref<!tpu.dma_semaphore, #tpu.memory_space<semaphore_mem>>)
      %dma_wait3A_309 = arith.constant 0 : i32
      %dma_wait3A_310 = arith.constant 0 : i32
      %dma_wait3A_311 = tpu.memref_slice %arg6[%arg1, %dma_wait3A_309, %dma_wait3A_310] : memref<16x2x16xf32, #tpu.memory_space<hbm>> -> memref<1x2x16xf32, #tpu.memory_space<hbm>>
      %dma_wait3A_312 = tpu.memref_squeeze %dma_wait3A_311 : memref<1x2x16xf32, #tpu.memory_space<hbm>> -> memref<2x16xf32, #tpu.memory_space<hbm>>
      %dma_wait3A_313 = arith.constant 0 : i32
      %dma_wait3A_314 = arith.constant 0 : i32
      %dma_wait3A_315 = tpu.memref_slice %arg6[%arg1, %dma_wait3A_313, %dma_wait3A_314] : memref<16x2x16xf32, #tpu.memory_space<hbm>> -> memref<1x2x16xf32, #tpu.memory_space<hbm>>
      %dma_wait3A_316 = tpu.memref_squeeze %dma_wait3A_315 : memref<1x2x16xf32, #tpu.memory_space<hbm>> -> memref<2x16xf32, #tpu.memory_space<hbm>>
      tpu.wait_dma2 semaphore(%run_scoped3A : memref<!tpu.dma_semaphore, #tpu.memory_space<semaphore_mem>>) src(%arg10 : memref<2x16xf32, #tpu.memory_space<vmem>>) dst(%dma_wait3A_316 : memref<2x16xf32, #tpu.memory_space<hbm>>)
      tpu.yield
    }) : () -> ()
    %barrier3A = arith.constant 0 : index
    tpu.barrier barrier_id(%barrier3A)
    "tpu.region"() ({
      %run_scoped3A = tpu.sem_alloc : memref<!tpu.dma_semaphore, #tpu.memory_space<semaphore_mem>>
      tpu.enqueue_dma source(%arg6 : memref<16x2x16xf32, #tpu.memory_space<hbm>>) target(%arg11 : memref<16x2x16xf32, #tpu.memory_space<vmem>>) target_semaphore(%run_scoped3A : memref<!tpu.dma_semaphore, #tpu.memory_space<semaphore_mem>>)
      tpu.wait_dma2 semaphore(%run_scoped3A : memref<!tpu.dma_semaphore, #tpu.memory_space<semaphore_mem>>) src(%arg6 : memref<16x2x16xf32, #tpu.memory_space<hbm>>) dst(%arg11 : memref<16x2x16xf32, #tpu.memory_space<vmem>>)
      tpu.yield
    }) : () -> ()
    %scan3A_154 = arith.constant 0 : i32
    %scan3A_155 = arith.constant 16 : i32
    %scan3A_156 = arith.addi %scan3A_154, %scan3A_155 : i32
    %scan3A_157 = arith.constant 1 : i32
    %scan3A_158:2 = scf.for %scan3A_301 = %scan3A_154 to %scan3A_156 step %scan3A_157 iter_args(%scan3A_302 = %broadcast_in_dim3A_48, %scan3A_303 = %broadcast_in_dim3A_48) -> (vector<16xf32>, vector<16xf32>)  : i32 {
      %get3A_304 = arith.constant 0 : i32
      %get3A_305 = arith.index_cast %scan3A_301 : i32 to index
      %get3A_306 = arith.index_cast %get3A_304 : i32 to index
      %get3A_307 = arith.constant 0 : index
      %get3A_308 = tpu.vector_load %arg11[%get3A_305, %get3A_306, %get3A_307] {strides = array<i32>} : memref<16x2x16xf32, #tpu.memory_space<vmem>>, vector<1x1x16xf32>,
      %get3A_309 = vector.shape_cast %get3A_308 : vector<1x1x16xf32> to vector<16xf32>
      %add3A_310 = arith.addf %scan3A_302, %get3A_309 : vector<16xf32>
      %get3A_311 = arith.constant 1 : i32
      %get3A_312 = arith.index_cast %scan3A_301 : i32 to index
      %get3A_313 = arith.index_cast %get3A_311 : i32 to index
      %get3A_314 = arith.constant 0 : index
      %get3A_315 = tpu.vector_load %arg11[%get3A_312, %get3A_313, %get3A_314] {strides = array<i32>} : memref<16x2x16xf32, #tpu.memory_space<vmem>>, vector<1x1x16xf32>,
      %get3A_316 = vector.shape_cast %get3A_315 : vector<1x1x16xf32> to vector<16xf32>
      %add3A_317 = arith.addf %scan3A_303, %get3A_316 : vector<16xf32>
      scf.yield %add3A_310, %add3A_317 : vector<16xf32>, vector<16xf32>
    }
    %scan3A_159 = arith.constant 16 : i32
    %iota3A = tpu.iota {dimensions = array<i32: 0>} : vector<16xi32>
    %xor3A = arith.constant 1 : i32
    %xor3A_160 = vector.broadcast %xor3A : i32 to vector<16xi32>
    %xor3A_161 = arith.xori %iota3A, %xor3A_160 : vector<16xi32>
    %broadcast_in_dim3A_162 = vector.shape_cast %xor3A_161 : vector<16xi32> to vector<16x1xi32>
    %gather3A = vector.shape_cast %broadcast_in_dim3A_162 : vector<16x1xi32> to vector<16xi32>
    %gather3A_163 = tpu.dynamic_gather %scan3A_158#0[%gather3A] in [0] : vector<16xf32>, vector<16xi32> -> vector<16xf32>
    %add3A = arith.addf %scan3A_158#0, %gather3A_163 : vector<16xf32>
    %xor3A_164 = arith.constant 2 : i32
    %xor3A_165 = vector.broadcast %xor3A_164 : i32 to vector<16xi32>
    %xor3A_166 = arith.xori %iota3A, %xor3A_165 : vector<16xi32>
    %broadcast_in_dim3A_167 = vector.shape_cast %xor3A_166 : vector<16xi32> to vector<16x1xi32>
    %gather3A_168 = vector.shape_cast %broadcast_in_dim3A_167 : vector<16x1xi32> to vector<16xi32>
    %gather3A_169 = tpu.dynamic_gather %add3A[%gather3A_168] in [0] : vector<16xf32>, vector<16xi32> -> vector<16xf32>
    %add3A_170 = arith.addf %add3A, %gather3A_169 : vector<16xf32>
    %xor3A_171 = arith.constant 4 : i32
    %xor3A_172 = vector.broadcast %xor3A_171 : i32 to vector<16xi32>
    %xor3A_173 = arith.xori %iota3A, %xor3A_172 : vector<16xi32>
    %broadcast_in_dim3A_174 = vector.shape_cast %xor3A_173 : vector<16xi32> to vector<16x1xi32>
    %gather3A_175 = vector.shape_cast %broadcast_in_dim3A_174 : vector<16x1xi32> to vector<16xi32>
    %gather3A_176 = tpu.dynamic_gather %add3A_170[%gather3A_175] in [0] : vector<16xf32>, vector<16xi32> -> vector<16xf32>
    %add3A_177 = arith.addf %add3A_170, %gather3A_176 : vector<16xf32>
    %xor3A_178 = arith.constant 8 : i32
    %xor3A_179 = vector.broadcast %xor3A_178 : i32 to vector<16xi32>
    %xor3A_180 = arith.xori %iota3A, %xor3A_179 : vector<16xi32>
    %broadcast_in_dim3A_181 = vector.shape_cast %xor3A_180 : vector<16xi32> to vector<16x1xi32>
    %gather3A_182 = vector.shape_cast %broadcast_in_dim3A_181 : vector<16x1xi32> to vector<16xi32>
    %gather3A_183 = tpu.dynamic_gather %add3A_177[%gather3A_182] in [0] : vector<16xf32>, vector<16xi32> -> vector<16xf32>
    %add3A_184 = arith.addf %add3A_177, %gather3A_183 : vector<16xf32>
    %iota3A_185 = tpu.iota {dimensions = array<i32: 0>} : vector<16xi32>
    %xor3A_186 = arith.constant 1 : i32
    %xor3A_187 = vector.broadcast %xor3A_186 : i32 to vector<16xi32>
    %xor3A_188 = arith.xori %iota3A_185, %xor3A_187 : vector<16xi32>
    %broadcast_in_dim3A_189 = vector.shape_cast %xor3A_188 : vector<16xi32> to vector<16x1xi32>
    %gather3A_190 = vector.shape_cast %broadcast_in_dim3A_189 : vector<16x1xi32> to vector<16xi32>
    %gather3A_191 = tpu.dynamic_gather %scan3A_158#1[%gather3A_190] in [0] : vector<16xf32>, vector<16xi32> -> vector<16xf32>
    %add3A_192 = arith.addf %scan3A_158#1, %gather3A_191 : vector<16xf32>
    %xor3A_193 = arith.constant 2 : i32
    %xor3A_194 = vector.broadcast %xor3A_193 : i32 to vector<16xi32>
    %xor3A_195 = arith.xori %iota3A_185, %xor3A_194 : vector<16xi32>
    %broadcast_in_dim3A_196 = vector.shape_cast %xor3A_195 : vector<16xi32> to vector<16x1xi32>
    %gather3A_197 = vector.shape_cast %broadcast_in_dim3A_196 : vector<16x1xi32> to vector<16xi32>
    %gather3A_198 = tpu.dynamic_gather %add3A_192[%gather3A_197] in [0] : vector<16xf32>, vector<16xi32> -> vector<16xf32>
    %add3A_199 = arith.addf %add3A_192, %gather3A_198 : vector<16xf32>
    %xor3A_200 = arith.constant 4 : i32
    %xor3A_201 = vector.broadcast %xor3A_200 : i32 to vector<16xi32>
    %xor3A_202 = arith.xori %iota3A_185, %xor3A_201 : vector<16xi32>
    %broadcast_in_dim3A_203 = vector.shape_cast %xor3A_202 : vector<16xi32> to vector<16x1xi32>
    %gather3A_204 = vector.shape_cast %broadcast_in_dim3A_203 : vector<16x1xi32> to vector<16xi32>
    %gather3A_205 = tpu.dynamic_gather %add3A_199[%gather3A_204] in [0] : vector<16xf32>, vector<16xi32> -> vector<16xf32>
    %add3A_206 = arith.addf %add3A_199, %gather3A_205 : vector<16xf32>
    %xor3A_207 = arith.constant 8 : i32
    %xor3A_208 = vector.broadcast %xor3A_207 : i32 to vector<16xi32>
    %xor3A_209 = arith.xori %iota3A_185, %xor3A_208 : vector<16xi32>
    %broadcast_in_dim3A_210 = vector.shape_cast %xor3A_209 : vector<16xi32> to vector<16x1xi32>
    %gather3A_211 = vector.shape_cast %broadcast_in_dim3A_210 : vector<16x1xi32> to vector<16xi32>
    %gather3A_212 = tpu.dynamic_gather %add3A_206[%gather3A_211] in [0] : vector<16xf32>, vector<16xi32> -> vector<16xf32>
    %add3A_213 = arith.addf %add3A_206, %gather3A_212 : vector<16xf32>
    %get3A = arith.constant 0 : i32
    %get3A_214 = arith.index_cast %get3A : i32 to index
    %get3A_215 = arith.constant 0 : index
    %get3A_216 = tpu.vector_load %arg9[%get3A_214, %get3A_215] {strides = array<i32>} : memref<6x16xf32, #tpu.memory_space<vmem>>, vector<1x16xf32>,
    %get3A_217 = vector.shape_cast %get3A_216 : vector<1x16xf32> to vector<16xf32>
    %get3A_218 = arith.constant 1 : i32
    %get3A_219 = arith.index_cast %get3A_218 : i32 to index
    %get3A_220 = arith.constant 0 : index
    %get3A_221 = tpu.vector_load %arg9[%get3A_219, %get3A_220] {strides = array<i32>} : memref<6x16xf32, #tpu.memory_space<vmem>>, vector<1x16xf32>,
    %get3A_222 = vector.shape_cast %get3A_221 : vector<1x16xf32> to vector<16xf32>
    %get3A_223 = arith.constant 2 : i32
    %get3A_224 = arith.index_cast %get3A_223 : i32 to index
    %get3A_225 = arith.constant 0 : index
    %get3A_226 = tpu.vector_load %arg9[%get3A_224, %get3A_225] {strides = array<i32>} : memref<6x16xf32, #tpu.memory_space<vmem>>, vector<1x16xf32>,
    %get3A_227 = vector.shape_cast %get3A_226 : vector<1x16xf32> to vector<16xf32>
    %get3A_228 = arith.constant 3 : i32
    %get3A_229 = arith.index_cast %get3A_228 : i32 to index
    %get3A_230 = arith.constant 0 : index
    %get3A_231 = tpu.vector_load %arg9[%get3A_229, %get3A_230] {strides = array<i32>} : memref<6x16xf32, #tpu.memory_space<vmem>>, vector<1x16xf32>,
    %get3A_232 = vector.shape_cast %get3A_231 : vector<1x16xf32> to vector<16xf32>
    %get3A_233 = arith.constant 4 : i32
    %get3A_234 = arith.index_cast %get3A_233 : i32 to index
    %get3A_235 = arith.constant 0 : index
    %get3A_236 = tpu.vector_load %arg9[%get3A_234, %get3A_235] {strides = array<i32>} : memref<6x16xf32, #tpu.memory_space<vmem>>, vector<1x16xf32>,
    %get3A_237 = vector.shape_cast %get3A_236 : vector<1x16xf32> to vector<16xf32>
    %get3A_238 = arith.constant 5 : i32
    %get3A_239 = arith.index_cast %get3A_238 : i32 to index
    %get3A_240 = arith.constant 0 : index
    %get3A_241 = tpu.vector_load %arg9[%get3A_239, %get3A_240] {strides = array<i32>} : memref<6x16xf32, #tpu.memory_space<vmem>>, vector<1x16xf32>,
    %get3A_242 = vector.shape_cast %get3A_241 : vector<1x16xf32> to vector<16xf32>
    %mul3A_243 = arith.constant 6.10351563E-5 : f32
    %mul3A_244 = vector.broadcast %mul3A_243 : f32 to vector<16xf32>
    %mul3A_245 = arith.mulf %add3A_184, %mul3A_244 : vector<16xf32>
    %mul3A_246 = arith.constant 6.10351563E-5 : f32
    %mul3A_247 = vector.broadcast %mul3A_246 : f32 to vector<16xf32>
    %mul3A_248 = arith.mulf %add3A_213, %mul3A_247 : vector<16xf32>
    %mul3A_249 = arith.mulf %mul3A_245, %mul3A_245 : vector<16xf32>
    %sub3A = arith.subf %mul3A_248, %mul3A_249 : vector<16xf32>
    %mul3A_250 = arith.mulf %get3A_217, %mul3A_245 : vector<16xf32>
    %add3A_251 = arith.addf %mul3A_250, %get3A_222 : vector<16xf32>
    %mul3A_252 = arith.mulf %get3A_217, %get3A_217 : vector<16xf32>
    %mul3A_253 = arith.mulf %mul3A_252, %sub3A : vector<16xf32>
    %add3A_254 = arith.constant 9.99999974E-6 : f32
    %add3A_255 = vector.broadcast %add3A_254 : f32 to vector<16xf32>
    %add3A_256 = arith.addf %mul3A_253, %add3A_255 : vector<16xf32>
    %bitcast_convert_type3A = tpu.bitcast %add3A_256 : vector<16xf32> -> vector<16xi32>
    %shift_right_arithmetic3A = arith.constant 1 : i32
    %shift_right_arithmetic3A_257 = vector.broadcast %shift_right_arithmetic3A : i32 to vector<16xi32>
    %shift_right_arithmetic3A_258 = arith.shrsi %bitcast_convert_type3A, %shift_right_arithmetic3A_257 : vector<16xi32>
    %sub3A_259 = arith.constant 1597463007 : i32
    %sub3A_260 = vector.broadcast %sub3A_259 : i32 to vector<16xi32>
    %sub3A_261 = arith.subi %sub3A_260, %shift_right_arithmetic3A_258 : vector<16xi32>
    %bitcast_convert_type3A_262 = tpu.bitcast %sub3A_261 : vector<16xi32> -> vector<16xf32>
    %mul3A_263 = arith.constant 5.000000e-01 : f32
    %mul3A_264 = vector.broadcast %mul3A_263 : f32 to vector<16xf32>
    %mul3A_265 = arith.mulf %add3A_256, %mul3A_264 : vector<16xf32>
    %mul3A_266 = arith.mulf %mul3A_265, %bitcast_convert_type3A_262 : vector<16xf32>
    %mul3A_267 = arith.mulf %mul3A_266, %bitcast_convert_type3A_262 : vector<16xf32>
    %sub3A_268 = arith.constant 1.500000e+00 : f32
    %sub3A_269 = vector.broadcast %sub3A_268 : f32 to vector<16xf32>
    %sub3A_270 = arith.subf %sub3A_269, %mul3A_267 : vector<16xf32>
    %mul3A_271 = arith.mulf %bitcast_convert_type3A_262, %sub3A_270 : vector<16xf32>
    %mul3A_272 = arith.mulf %mul3A_265, %mul3A_271 : vector<16xf32>
    %mul3A_273 = arith.mulf %mul3A_272, %mul3A_271 : vector<16xf32>
    %sub3A_274 = arith.constant 1.500000e+00 : f32
    %sub3A_275 = vector.broadcast %sub3A_274 : f32 to vector<16xf32>
    %sub3A_276 = arith.subf %sub3A_275, %mul3A_273 : vector<16xf32>
    %mul3A_277 = arith.mulf %mul3A_271, %sub3A_276 : vector<16xf32>
    %mul3A_278 = arith.mulf %mul3A_265, %mul3A_277 : vector<16xf32>
    %mul3A_279 = arith.mulf %mul3A_278, %mul3A_277 : vector<16xf32>
    %sub3A_280 = arith.constant 1.500000e+00 : f32
    %sub3A_281 = vector.broadcast %sub3A_280 : f32 to vector<16xf32>
    %sub3A_282 = arith.subf %sub3A_281, %mul3A_279 : vector<16xf32>
    %mul3A_283 = arith.mulf %mul3A_277, %sub3A_282 : vector<16xf32>
    %mul3A_284 = arith.mulf %mul3A_265, %mul3A_283 : vector<16xf32>
    %mul3A_285 = arith.mulf %mul3A_284, %mul3A_283 : vector<16xf32>
    %sub3A_286 = arith.constant 1.500000e+00 : f32
    %sub3A_287 = vector.broadcast %sub3A_286 : f32 to vector<16xf32>
    %sub3A_288 = arith.subf %sub3A_287, %mul3A_285 : vector<16xf32>
    %mul3A_289 = arith.mulf %mul3A_283, %sub3A_288 : vector<16xf32>
    %mul3A_290 = arith.mulf %mul3A_289, %get3A_227 : vector<16xf32>
    %mul3A_291 = arith.mulf %add3A_251, %mul3A_290 : vector<16xf32>
    %sub3A_292 = arith.subf %get3A_232, %mul3A_291 : vector<16xf32>
    %scan3A_293 = arith.constant 0 : i32
    %scan3A_294 = arith.constant 0 : i32
    %scan3A_295 = arith.constant 64 : i32
    %scan3A_296 = arith.addi %scan3A_294, %scan3A_295 : i32
    %scan3A_297 = arith.constant 1 : i32
    scf.for %scan3A_301 = %scan3A_294 to %scan3A_296 step %scan3A_297  : i32 {
      %mul3A_302 = arith.constant 16 : i32
      %mul3A_303 = arith.muli %scan3A_301, %mul3A_302 : i32
      %get3A_304 = arith.index_cast %mul3A_303 : i32 to index
      %get3A_305 = tpu.vector_load %arg8[%get3A_304] {strides = array<i32>} : memref<1024xf32, #tpu.memory_space<vmem>>, vector<16xf32>,
      %get3A_306 = vector.shape_cast %get3A_305 : vector<16xf32> to vector<16xf32>
      %mul3A_307 = arith.mulf %get3A_306, %get3A_217 : vector<16xf32>
      %add3A_308 = arith.addf %mul3A_307, %get3A_222 : vector<16xf32>
      %mul3A_309 = arith.mulf %add3A_308, %mul3A_290 : vector<16xf32>
      %add3A_310 = arith.addf %mul3A_309, %sub3A_292 : vector<16xf32>
      %sub3A_311 = arith.subf %add3A_310, %add3A_310 : vector<16xf32>
      %mul3A_312 = arith.mulf %sub3A_311, %sub3A_311 : vector<16xf32>
      %add3A_313 = arith.constant 9.99999974E-6 : f32
      %add3A_314 = vector.broadcast %add3A_313 : f32 to vector<16xf32>
      %add3A_315 = arith.addf %mul3A_312, %add3A_314 : vector<16xf32>
      %bitcast_convert_type3A_316 = tpu.bitcast %add3A_315 : vector<16xf32> -> vector<16xi32>
      %shift_right_arithmetic3A_317 = arith.constant 1 : i32
      %shift_right_arithmetic3A_318 = vector.broadcast %shift_right_arithmetic3A_317 : i32 to vector<16xi32>
      %shift_right_arithmetic3A_319 = arith.shrsi %bitcast_convert_type3A_316, %shift_right_arithmetic3A_318 : vector<16xi32>
      %sub3A_320 = arith.constant 1597463007 : i32
      %sub3A_321 = vector.broadcast %sub3A_320 : i32 to vector<16xi32>
      %sub3A_322 = arith.subi %sub3A_321, %shift_right_arithmetic3A_319 : vector<16xi32>
      %bitcast_convert_type3A_323 = tpu.bitcast %sub3A_322 : vector<16xi32> -> vector<16xf32>
      %mul3A_324 = arith.constant 5.000000e-01 : f32
      %mul3A_325 = vector.broadcast %mul3A_324 : f32 to vector<16xf32>
      %mul3A_326 = arith.mulf %add3A_315, %mul3A_325 : vector<16xf32>
      %mul3A_327 = arith.mulf %mul3A_326, %bitcast_convert_type3A_323 : vector<16xf32>
      %mul3A_328 = arith.mulf %mul3A_327, %bitcast_convert_type3A_323 : vector<16xf32>
      %sub3A_329 = arith.constant 1.500000e+00 : f32
      %sub3A_330 = vector.broadcast %sub3A_329 : f32 to vector<16xf32>
      %sub3A_331 = arith.subf %sub3A_330, %mul3A_328 : vector<16xf32>
      %mul3A_332 = arith.mulf %bitcast_convert_type3A_323, %sub3A_331 : vector<16xf32>
      %mul3A_333 = arith.mulf %mul3A_326, %mul3A_332 : vector<16xf32>
      %mul3A_334 = arith.mulf %mul3A_333, %mul3A_332 : vector<16xf32>
      %sub3A_335 = arith.constant 1.500000e+00 : f32
      %sub3A_336 = vector.broadcast %sub3A_335 : f32 to vector<16xf32>
      %sub3A_337 = arith.subf %sub3A_336, %mul3A_334 : vector<16xf32>
      %mul3A_338 = arith.mulf %mul3A_332, %sub3A_337 : vector<16xf32>
      %mul3A_339 = arith.mulf %sub3A_311, %mul3A_338 : vector<16xf32>
      %mul3A_340 = arith.mulf %mul3A_339, %get3A_237 : vector<16xf32>
      %add3A_341 = arith.addf %mul3A_340, %get3A_242 : vector<16xf32>
      %mul3A_342 = arith.constant 16 : i32
      %mul3A_343 = arith.muli %scan3A_301, %mul3A_342 : i32
      %swap3A_344 = arith.index_cast %mul3A_343 : i32 to index
      %swap3A_345 = tpu.vector_load %arg12[%swap3A_344] {strides = array<i32>} : memref<1024xf32, #tpu.memory_space<vmem>>, vector<16xf32>,
      %swap3A_346 = vector.shape_cast %swap3A_345 : vector<16xf32> to vector<16xf32>
      %swap3A_347 = vector.shape_cast %add3A_341 : vector<16xf32> to vector<16xf32>
      tpu.vector_store %arg12[%swap3A_344], %swap3A_347 {strides = array<i32>} : memref<1024xf32, #tpu.memory_space<vmem>>, vector<16xf32>,
    }
    %scan3A_298 = arith.constant 64 : i32
    %mul3A_299 = arith.constant 1024 : i32
    %mul3A_300 = arith.muli %arg1, %mul3A_299 : i32
    "tpu.region"() ({
      %run_scoped3A = tpu.sem_alloc : memref<!tpu.dma_semaphore, #tpu.memory_space<semaphore_mem>>
      %dma_start3A_301 = tpu.memref_slice %arg5[%mul3A_300] : memref<16384xf32, #tpu.memory_space<hbm>> -> memref<1024xf32, #tpu.memory_space<hbm>>
      %dma_start3A_302 = tpu.memref_slice %arg5[%mul3A_300] : memref<16384xf32, #tpu.memory_space<hbm>> -> memref<1024xf32, #tpu.memory_space<hbm>>
      tpu.enqueue_dma source(%arg12 : memref<1024xf32, #tpu.memory_space<vmem>>) target(%dma_start3A_302 : memref<1024xf32, #tpu.memory_space<hbm>>) target_semaphore(%run_scoped3A : memref<!tpu.dma_semaphore, #tpu.memory_space<semaphore_mem>>)
      %dma_wait3A_303 = tpu.memref_slice %arg5[%mul3A_300] : memref<16384xf32, #tpu.memory_space<hbm>> -> memref<1024xf32, #tpu.memory_space<hbm>>
      %dma_wait3A_304 = tpu.memref_slice %arg5[%mul3A_300] : memref<16384xf32, #tpu.memory_space<hbm>> -> memref<1024xf32, #tpu.memory_space<hbm>>
      tpu.wait_dma2 semaphore(%run_scoped3A : memref<!tpu.dma_semaphore, #tpu.memory_space<semaphore_mem>>) src(%arg12 : memref<1024xf32, #tpu.memory_space<vmem>>) dst(%dma_wait3A_304 : memref<1024xf32, #tpu.memory_space<hbm>>)
      tpu.yield
    }) : () -> ()
    return
  }
}

</mosaic_0001>

<sc_bundles>
// kernel: _embedder_sc.3.cloned.1.call-start
scs
__scs_entry_jumppad:
0x0: {  	(pc) =	sbr.rel $0x88, $3  }
0x1: {  	(tag) =	ssettag $0x0;
	lr =	simm.s32 $0x1  }
0x2: {  	[smem:$0x3F9E] =	sst lr;
	_ =	strace $0xD0000000  }
0x3: {  	_ = 	snop  }
0x4: {  	_ = 	snop  }
0x5: {  	_ = 	snop  }
0x6: {  	_ = 	snop  }
0x7: {  	_ = 	snop  }
__scs_overlays_trampoline_lowered:
0x8: {  	[smem:$0x3FAD] =	sst s0  }
0x9: {  	[smem:$0x3FAE] =	sst s1  }
0xa: {  	[smem:$0x3FAF] =	sst s2  }
0xb: {  	[smem:$0x3FB0] =	sst s3  }
0xc: {  	[smem:$0x3FB1] =	sst s4  }
0xd: {  	[smem:$0x3FB2] =	sst s5  }
0xe: {  	[smem:$0x3FB3] =	sst s6  }
0xf: {  	[smem:$0x3FB4] =	sst s7  }
0x10: {  	[smem:$0x3FB5] =	sst s8  }
0x11: {  	[smem:$0x3FB6] =	sst s9;
	s0 =	simm.s32 @!p0 $0x0  }
0x12: {  	s1 =	sld [smem:$0x3F9C];
	s0 =	simm.s32 @p0 $0x1  }
0x13: {  	[smem:$0x3FB7] =	sst s0;
	s0 =	simm.s32 @!p1 $0x0  }
0x14: {  	s2 =	sld [smem:$0x3F9B];
	s0 =	simm.s32 @p1 $0x1  }
0x15: {  	[smem:$0x3FB8] =	sst s0;
	s0 =	simm.s32 @!p2 $0x0  }
0x16: {  	s3 =	sld [smem:$0x3FDB];
	s0 =	simm.s32 @p2 $0x1  }
0x17: {  	s4 =	simm.s32 $0x1BF5;
	[smem:$0x3FBA] =	sst s0  }
0x18: {  	s0 =	sld [smem:$0x3F9D];
	_ =	swait.ge [sflag:s4], $0x0  }
0x19: {  	s7 =	sld [smem:$0x3F9E]  }
0x1a: {  	s8 =	sadd.s32 $0xFFFFE003, lr  }
0x1b: {  	s9 =	sadd.s32 $0xFFFFFEF7, lr;
	s5 =	simm.s32 $0xFFFFFFFF;
	p2 =	slt.u32 s8, $0xFFFFF086  }
0x1c: {  	p1 =	slt.u32 s9, $0xF7A;
	s5 =	simm.s32 @!p2 $0x0  }
0x1d: {  	s5 =	simm.s32 @p1 $0x1;
	p0 =	seq.s32 s7, s2  }
0x1e: {  	s7 =	smul.u32 @!p0 $0xF7A, s2;
	p2 =	seq.s32 @!p0 s5, $0x0  }
0x1f: {  	s9 =	smul.u32 $0xF7A, s1;
	s8 =	simm.s32 @!p0 $0x1BF5;
	p2 =	por !p2, p0  }
0x20: {  	[sflag:s8] =	ssyncset.s32 @!p0 $0xFFFFF086;
	s6 =	sadd.s32 @!p0 s3, s7;
	s7 =	simm.s32 @!p0 $0x108  }
0x21: {  	s3 =	sadd.s32 s3, s9;
	s6 =	sadd.s32 @!p0 $0x88, s6;
	s7 =	simm.s32 @p2 $0x1082  }
0x22: {  	[simem:s7], [sflag:s8] =	dma.local @!p0 [hbm:s6], $0xF7A  }
0x23: {  	s9 =	sor.u32 $0xD0000000, s2;
	s6 =	simm.s32 $0x108;
	_ =	swait.ge @!p0 [sflag:s8], $0x0  }
0x24: {  	s3 =	sadd.s32 $0x88, s3;
	s6 =	simm.s32 @!p1 $0x1082;
	[sflag:s4] =	ssyncset.s32 $0xFFFFF086  }
0x25: {  	[simem:s6], [sflag:s4] =	dma.local [hbm:s3], $0xF7A  }
0x26: {  	[smem:$0x3F9E] =	sst s1;
	(tag) =	ssettag s2;
	_ =	strace s9  }
0x27: {  	s1 =	sld [smem:$0x3FAE]  }
0x28: {  	s2 =	sld [smem:$0x3FAF]  }
0x29: {  	s4 =	sld [smem:$0x3FB1]  }
0x2a: {  	p0 =	seq.s32 s5, $0x0;
	s5 =	sld [smem:$0x3FB2]  }
0x2b: {  	s6 =	sld [smem:$0x3FB3]  }
0x2c: {  	s7 =	sld [smem:$0x3FB4]  }
0x2d: {  	s3 =	simm.s32 $0x108;
	s8 =	sld [smem:$0x3FB5]  }
0x2e: {  	s3 =	simm.s32 @!p0 $0x1082;
	s9 =	sld [smem:$0x3FB6]  }
0x2f: {  	lr =	sadd.s32 s0, s3;
	s0 =	sld [smem:$0x3FAD]  }
0x30: {  	s3 =	sld [smem:$0x3FB0]  }
0x31: {  	[smem:$0x3FB9] =	sst s10  }
0x32: {  	s10 =	sld [smem:$0x3FB7];
	_ =	sdelay $0x3  }
0x33: {  	p0 =	seq.s32 s10, $0x1;
	s10 =	sld [smem:$0x3FB9];
	_ =	sdelay $0x3  }
0x34: {  	[smem:$0x3FB9] =	sst s10  }
0x35: {  	s10 =	sld [smem:$0x3FB8];
	_ =	sdelay $0x3  }
0x36: {  	p1 =	seq.s32 s10, $0x1;
	s10 =	sld [smem:$0x3FB9];
	_ =	sdelay $0x3  }
0x37: {  	[smem:$0x3FB9] =	sst s10  }
0x38: {  	s10 =	sld [smem:$0x3FBA]  }
0x39: {  	_ = 	snop;
	(pc) =	sbr.ind lr, $3  }
0x3a: {  	_ = 	snop  }
0x3b: {  	_ = 	snop  }
0x3c: {  	p2 =	seq.s32 s10, $0x1;
	s10 =	sld [smem:$0x3FB9]  }
0x3d: {  	_ =	shalt  }
0x3e: {  	_ =	shalt  }
0x3f: {  	_ =	shalt  }
0x40: {  	_ =	shalt  }
0x41: {  	_ =	shalt  }
0x42: {  	_ =	shalt  }
0x43: {  	_ =	shalt  }
0x44: {  	_ =	shalt  }
0x45: {  	_ =	shalt  }
0x46: {  	_ =	shalt  }
0x47: {  	_ =	shalt  }
0x48: {  	_ =	shalt  }
0x49: {  	_ =	shalt  }
0x4a: {  	_ =	shalt  }
0x4b: {  	_ =	shalt  }
0x4c: {  	_ =	shalt  }
0x4d: {  	_ =	shalt  }
0x4e: {  	_ =	shalt  }
0x4f: {  	_ =	shalt  }
0x50: {  	_ =	shalt  }
0x51: {  	_ =	shalt  }
0x52: {  	_ =	shalt  }
0x53: {  	_ =	shalt  }
0x54: {  	_ =	shalt  }
0x55: {  	_ =	shalt  }
0x56: {  	_ =	shalt  }
0x57: {  	_ =	shalt  }
0x58: {  	_ =	shalt  }
0x59: {  	_ =	shalt  }
0x5a: {  	_ =	shalt  }
0x5b: {  	_ =	shalt  }
0x5c: {  	_ =	shalt  }
0x5d: {  	_ =	shalt  }
0x5e: {  	_ =	shalt  }
0x5f: {  	_ =	shalt  }
0x60: {  	_ =	shalt  }
0x61: {  	_ =	shalt  }
0x62: {  	_ =	shalt  }
0x63: {  	_ =	shalt  }
0x64: {  	_ =	shalt  }
0x65: {  	_ =	shalt  }
0x66: {  	_ =	shalt  }
0x67: {  	_ =	shalt  }
0x68: {  	_ =	shalt  }
0x69: {  	_ =	shalt  }
0x6a: {  	_ =	shalt  }
0x6b: {  	_ =	shalt  }
0x6c: {  	_ =	shalt  }
0x6d: {  	_ =	shalt  }
0x6e: {  	_ =	shalt  }
0x6f: {  	_ =	shalt  }
0x70: {  	_ =	shalt  }
0x71: {  	_ =	shalt  }
0x72: {  	_ =	shalt  }
0x73: {  	_ =	shalt  }
0x74: {  	_ =	shalt  }
0x75: {  	_ =	shalt  }
0x76: {  	_ =	shalt  }
0x77: {  	_ =	shalt  }
0x78: {  	_ =	shalt  }
0x79: {  	_ =	shalt  }
0x7a: {  	_ =	shalt  }
0x7b: {  	_ =	shalt  }
0x7c: {  	_ =	shalt  }
0x7d: {  	_ =	shalt  }
0x7e: {  	_ =	shalt  }
0x7f: {  	_ =	shalt  }
0x80: {  	_ =	shalt  }
0x81: {  	_ =	shalt  }
0x82: {  	_ =	shalt  }
0x83: {  	_ =	shalt  }
0x84: {  	_ =	shalt  }
0x85: {  	_ =	shalt  }
0x86: {  	_ =	shalt  }
0x87: {  	_ =	shalt  }
.Lfunc_end0:
.L_simem_size_0:
called_computation_lowered:
.L_overlay_start_0:
0x88: {  	s0 =	sld [smem:$0x3FD9]  }
0x89: {  	s1 =	sld [smem:$0x3FFE];
	_ =	sdelay $0x3  }
0x8a: {  	s0 =	sadd.s32 s1, s0  }
0x8b: {  	[smem:$0x3FC5] =	sst s0  }
0x8c: {  	_ = 	snop  }
0x8d: {  	s0 =	sld [smem:$0x3FD0]  }
0x8e: {  	s14 =	sld [smem:$0x3FC9]  }
0x8f: {  	s2 =	sld [smem:$0x3FC8]  }
0x90: {  	s4 =	simm.s32 $0xA;
	s5 =	simm.s32 $0x10;
	s3 =	sld [smem:$0x3FC7]  }
0x91: {  	[smem:s5], [sflag:s4] =	dma.local [hbm:s0], $0x1  }
0x92: {  	_ =	swait.eq [sflag:s4], $0x1  }
0x93: {  	[sflag:s4] =	ssyncset.done $0x0  }
0x94: {  	s15 =	sld [smem:$0x10];
	[sflag:s4] =	ssyncadd.s32 $0xFFFFFFFF  }
0x95: {  	s16 =	sld [smem:$0x11];
	(tm) =	ssettm $0x1  }
0x96: {  	s17 =	sld [smem:$0x3FFB];
	_ =	sdelay $0x3  }
0x97: {  	_ =	strace s17  }
0x98: {  	s5 =	sld [smem:$0x3FFC];
	_ =	sdelay $0x3  }
0x99: {  	_ =	strace s5  }
0x9a: {  	s5 =	sld [smem:$0x3FFD];
	_ =	sdelay $0x3  }
0x9b: {  	_ =	strace s5  }
0x9c: {  	_ =	strace $0x8FFFFFFF  }
0x9d: {  	s18 =	sld [smem:$0x3FDB];
	_ =	sdelay $0x1  }
0x9e: {  	s6 =	simm.s32 $_scs_section_size  }
0x9f: {  	s7 =	simm.s32 $_size__tile_overlayer_lowered;
	s8 =	simm.s32 $_tile_overlayer_lowered  }
0xa0: {  	s21 =	simm.s32 $0x1BFF;
	s20 =	sshll.u32 s8, $0x1;
	s5 =	sadd.s32 s6, s18  }
0xa1: {  	s9 =	simm.s32 $0x0;
	s19 =	sshll.u32 s7, $0x1;
	s7 =	sadd.s32 s20, s5  }
0xa2: {  	[timem:s9], [sflag:s21] =	dma.local [hbm:s7], s19  }
0xa3: {  	_ =	swait.ge [sflag:s21], s19  }
0xa4: {  	s6 =	ssub.s32 $0x0, s19;
	[sflag:s21] =	ssyncset.done $0x0  }
0xa5: {  	[sflag:s21] =	ssyncadd.s32 s6;
	_ =	sdelay $0x1  }
0xa6: {  	s22 =	simm.s32 $0x1B8B  }
0xa7: {  	_ =	swait.ge [sflag:s22], $0x1  }
0xa8: {  	[sflag:s22] =	ssyncset.done $0x0  }
0xa9: {  	s23 =	simm.s32 $0x1B8E;
	[sflag:s22] =	ssyncadd.s32 $0xFFFFFFFF  }
0xaa: {  	s24 =	simm.s32 $execute0_lowered;
	[smem:$0x3FD2] =	sst s23  }
0xab: {  	s6 =	sshll.u32 s24, $0x1;
	_ =	strace $0x80000046;
	[dreg:$0x1] =	wrdreg $0xFFFFFFFF  }
0xac: {  	s25 =	simm.s32 $_size_execute0_lowered;
	s5 =	sadd.s32 s5, s6;
	[dreg:$0x0] =	wrdreg $0x0  }
0xad: {  	s6 =	sshll.u32 s25, $0x1;
	[dreg:$0x2] =	wrdreg s5  }
0xae: {  	[dreg:$0x3] =	wrdreg s6  }
0xaf: {  	[dreg:$0x4] =	wrdreg $0xC0  }
0xb0: {  	_ =	task [dreg:s9], $0x5FFFF  }
0xb1: {  	[dreg:$0x1] =	wrdreg $0xFFFFFFFF  }
0xb2: {  	[dreg:$0x0] =	wrdreg $0x60  }
0xb3: {  	[dreg:$0x2] =	wrdreg s14  }
0xb4: {  	[dreg:$0x3] =	wrdreg s2  }
0xb5: {  	[dreg:$0x4] =	wrdreg s3  }
0xb6: {  	[dreg:$0x5] =	wrdreg s15  }
0xb7: {  	[dreg:$0x6] =	wrdreg s16  }
0xb8: {  	[dreg:$0x7] =	wrdreg $0x9  }
0xb9: {  	_ =	task.clear_ibuf [dreg:s9], $0x8FFFF;
	_ =	strace $0x90000046  }
0xba: {  	s26 =	simm.s32 $0x9;
	_ =	strace $0x80000048  }
0xbb: {  	_ =	swait.ge [sflag:s26], $0x1  }
0xbc: {  	[sflag:s26] =	ssyncadd.s32 $0xFFFFFFFF  }
0xbd: {  	_ =	strace $0x90000048  }
0xbe: {  	_ =	sfence  }
0xbf: {  	s28 =	sld [smem:$0x0];
	_ =	sdelay $0x1  }
0xc0: {  	s29 =	srdreg.scid  }
0xc1: {  	s30 =	sshll.u32 s29, $0xD;
	s31 =	sshrl.u32 s29, $0x2  }
0xc2: {  	s1 =	sand.u32 $0x1, s29;
	s2 =	sand.u32 $0x4000, s30;
	s0 =	sadd.s32 s31, s28  }
0xc3: {  	s1 =	sor.u32 s2, s1;
	s0 =	sshll.u32 s0, $0x11  }
0xc4: {  	s0 =	sor.u32 s0, s1  }
0xc5: {  	s0 =	sadd.s32 $0x8F2B, s0  }
0xc6: {  	[sflag:s0] =	ssyncadd.remote.s32 $0x1  }
0xc7: {  	_ =	sfence.sel $0xFFFF  }
0xc8: {  	[dreg:$0x0] =	wrdreg $0xFFFFFFFF;
	(pc) =	sbr.abs _section_cstart, $3  }
0xc9: {  	[dreg:$0x1] =	wrdreg $0xFFFFFFFF  }
0xca: {  	_ =	task.clear_ibuf [dreg:s9], $0x2FFFF;
	_ =	strace $0x9FFFFFFF  }
0xcb: {  	(tm) =	ssettm $0x7FFFFFFF  }
tec
execute0_lowered:
.L_overlay_start_1:
0x0: {  	(tag) =	ssettag $0x1  }
0x1: {  	s6 =	rddreg [dreg:$0x0]  }
0x2: {  	s7 =	rddreg [dreg:$0x1]  }
0x3: {  	s8 =	rddreg [dreg:$0x2]  }
0x4: {  	s2 =	rddreg [dreg:$0x3]  }
0x5: {  	s4 =	rddreg [dreg:$0x4]  }
0x6: {  	s0 =	rddreg [dreg:$0x5];
	s5 =	simm.s32 $0x0;
	s1 =	stileid.u32  }
0x7: {  	[smem:$0x7FF] =	sst s5;
	s3 =	sshll.u32 s1, $0x7  }
0x8: {  	s13 =	simm.s32 $0x2;
	_ =	strace $0x80000047;
	s6 =	sadd.s32 s6, s3  }
0x9: {  	[tilespmem:s5], [sflag:$0x2] =	stream.linear.gather [hbm4b:s6+s5], $0x400, $0x38;
	[tilespmem:$0x2100] =	vst v63  }
0xa: {  	_ =	swait.ge [sflag:s13], $0x400  }
0xb: {  	[sflag:s13] =	ssyncset.done $0x0  }
0xc: {  	s9 =	simm.s32 $0x80;
	s10 =	simm.s32 $0x400;
	[sflag:s13] =	ssyncadd.s32 $0xFFFFFC00  }
0xd: {  	[tilespmem:s10], [sflag:$0x1] =	stream.indirect.gather [hbm4b:s7+s9], $0x1, s5, s9, $0xb8;
	[tilespmem:$0x2100] =	vst v63  }
0xe: {  	s14 =	simm.s32 $0x480  }
0xf: {  	[tilespmem:s14], [sflag:$0x1] =	stream.indirect.gather [hbm4b:s7+s9], $0x1, s9, s9, $0xb8;
	[tilespmem:$0x2100] =	vst v63  }
0x10: {  	s15 =	simm.s32 $0x100;
	s11 =	simm.s32 $0x500  }
0x11: {  	[tilespmem:s11], [sflag:$0x1] =	stream.indirect.gather [hbm4b:s7+s9], $0x1, s15, s9, $0xb8;
	[tilespmem:$0x2100] =	vst v63  }
0x12: {  	s16 =	simm.s32 $0x180;
	s17 =	simm.s32 $0x580  }
0x13: {  	[tilespmem:s17], [sflag:$0x1] =	stream.indirect.gather [hbm4b:s7+s9], $0x1, s16, s9, $0xb8;
	[tilespmem:$0x2100] =	vst v63  }
0x14: {  	s18 =	simm.s32 $0x200;
	s19 =	simm.s32 $0x600  }
0x15: {  	[tilespmem:s19], [sflag:$0x1] =	stream.indirect.gather [hbm4b:s7+s9], $0x1, s18, s9, $0xb8;
	[tilespmem:$0x2100] =	vst v63  }
0x16: {  	s20 =	simm.s32 $0x280;
	s21 =	simm.s32 $0x680  }
0x17: {  	[tilespmem:s21], [sflag:$0x1] =	stream.indirect.gather [hbm4b:s7+s9], $0x1, s20, s9, $0xb8;
	[tilespmem:$0x2100] =	vst v63  }
0x18: {  	s22 =	simm.s32 $0x300;
	s23 =	simm.s32 $0x700  }
0x19: {  	[tilespmem:s23], [sflag:$0x1] =	stream.indirect.gather [hbm4b:s7+s9], $0x1, s22, s9, $0xb8;
	[tilespmem:$0x2100] =	vst v63  }
0x1a: {  	s24 =	simm.s32 $0x380;
	s25 =	simm.s32 $0x780  }
0x1b: {  	[tilespmem:s25], [sflag:$0x1] =	stream.indirect.gather [hbm4b:s7+s9], $0x1, s24, s9, $0xb8;
	[tilespmem:$0x2100] =	vst v63  }
0x1c: {  	s26 =	simm.s32 $0x800  }
0x1d: {  	[tilespmem:s26], [sflag:$0x2] =	stream.linear.gather [hbm4b:s8+s5], $0x300, $0x38;
	[tilespmem:$0x2100] =	vst v63  }
0x1e: {  	_ =	swait.ge [sflag:s13], $0x300  }
0x1f: {  	[sflag:s13] =	ssyncset.done $0x0  }
0x20: {  	s28 =	simm.s32 $0x1;
	[sflag:s13] =	ssyncadd.s32 $0xFFFFFD00  }
0x21: {  	_ =	swait.ge [sflag:s28], $0x80  }
0x22: {  	[sflag:s28] =	ssyncset.done $0x0  }
0x23: {  	[sflag:s28] =	ssyncadd.s32 $0xFFFFFF80  }
0x24: {  	v0 =	vld [tilespmem:$0x400]  }
0x25: {  	v1 =	vld [tilespmem:$0x410];
	_ =	sdelay $0x1  }
0x26: {  	v2 =	vld [tilespmem:$0x420];
	_ =	sdelay $0x1  }
0x27: {  	v4 =	vld [tilespmem:$0x430];
	v3 =	vadd.f32 $0.0e+00, v0  }
0x28: {  	v0 =	vmul.f32 v0, v0;
	v5 =	vmul.f32 v1, v1  }
0x29: {  	v1 =	vadd.f32 v1, v3;
	v3 =	vld [tilespmem:$0x440]  }
0x2a: {  	v0 =	vadd.f32 v5, v0;
	v5 =	vmul.f32 v2, v2  }
0x2b: {  	v1 =	vadd.f32 v2, v1;
	v2 =	vld [tilespmem:$0x450]  }
0x2c: {  	v0 =	vadd.f32 v5, v0;
	v5 =	vmul.f32 v4, v4  }
0x2d: {  	v6 =	vld [tilespmem:$0x460];
	v1 =	vadd.f32 v4, v1  }
0x2e: {  	v4 =	vld [tilespmem:$0x470];
	v0 =	vadd.f32 v5, v0;
	_ =	swait.ge [sflag:s28], $0x80;
	v5 =	vmul.f32 v3, v3  }
0x2f: {  	[sflag:s28] =	ssyncset.done $0x0;
	v1 =	vadd.f32 v3, v1  }
0x30: {  	[sflag:s28] =	ssyncadd.s32 $0xFFFFFF80;
	v0 =	vadd.f32 v5, v0;
	v3 =	vmul.f32 v2, v2  }
0x31: {  	v1 =	vadd.f32 v2, v1;
	v2 =	vld [tilespmem:$0x480]  }
0x32: {  	v0 =	vadd.f32 v3, v0;
	v3 =	vmul.f32 v6, v6  }
0x33: {  	v5 =	vld [tilespmem:$0x490];
	v1 =	vadd.f32 v6, v1  }
0x34: {  	v0 =	vadd.f32 v3, v0;
	v3 =	vmul.f32 v4, v4  }
0x35: {  	v1 =	vadd.f32 v4, v1;
	v4 =	vld [tilespmem:$0x4A0]  }
0x36: {  	v0 =	vadd.f32 v3, v0;
	v3 =	vmul.f32 v2, v2  }
0x37: {  	v1 =	vadd.f32 v2, v1;
	v2 =	vld [tilespmem:$0x4B0]  }
0x38: {  	v0 =	vadd.f32 v3, v0;
	v3 =	vmul.f32 v5, v5  }
0x39: {  	v1 =	vadd.f32 v5, v1;
	v5 =	vld [tilespmem:$0x4C0]  }
0x3a: {  	v0 =	vadd.f32 v3, v0;
	v3 =	vmul.f32 v4, v4  }
0x3b: {  	v1 =	vadd.f32 v4, v1;
	v4 =	vld [tilespmem:$0x4D0]  }
0x3c: {  	v0 =	vadd.f32 v3, v0;
	v3 =	vmul.f32 v2, v2  }
0x3d: {  	v6 =	vld [tilespmem:$0x4E0];
	v1 =	vadd.f32 v2, v1  }
0x3e: {  	v2 =	vld [tilespmem:$0x4F0];
	_ =	swait.ge [sflag:s28], $0x80;
	v0 =	vadd.f32 v3, v0;
	v3 =	vmul.f32 v5, v5  }
0x3f: {  	[sflag:s28] =	ssyncset.done $0x0;
	v1 =	vadd.f32 v5, v1  }
0x40: {  	[sflag:s28] =	ssyncadd.s32 $0xFFFFFF80;
	v0 =	vadd.f32 v3, v0;
	v3 =	vmul.f32 v4, v4  }
0x41: {  	v1 =	vadd.f32 v4, v1;
	v4 =	vld [tilespmem:$0x500]  }
0x42: {  	v0 =	vadd.f32 v3, v0;
	v3 =	vmul.f32 v6, v6  }
0x43: {  	v5 =	vld [tilespmem:$0x510];
	v1 =	vadd.f32 v6, v1  }
0x44: {  	v0 =	vadd.f32 v3, v0;
	v3 =	vmul.f32 v2, v2  }
0x45: {  	v1 =	vadd.f32 v2, v1;
	v2 =	vld [tilespmem:$0x520]  }
0x46: {  	v0 =	vadd.f32 v3, v0;
	v3 =	vmul.f32 v4, v4  }
0x47: {  	v1 =	vadd.f32 v4, v1;
	v4 =	vld [tilespmem:$0x530]  }
0x48: {  	v0 =	vadd.f32 v3, v0;
	v3 =	vmul.f32 v5, v5  }
0x49: {  	v1 =	vadd.f32 v5, v1;
	v5 =	vld [tilespmem:$0x540]  }
0x4a: {  	v0 =	vadd.f32 v3, v0;
	v3 =	vmul.f32 v2, v2  }
0x4b: {  	v1 =	vadd.f32 v2, v1;
	v2 =	vld [tilespmem:$0x550]  }
0x4c: {  	v0 =	vadd.f32 v3, v0;
	v3 =	vmul.f32 v4, v4  }
0x4d: {  	v6 =	vld [tilespmem:$0x560];
	v1 =	vadd.f32 v4, v1  }
0x4e: {  	v4 =	vld [tilespmem:$0x570];
	_ =	swait.ge [sflag:s28], $0x80;
	v0 =	vadd.f32 v3, v0;
	v3 =	vmul.f32 v5, v5  }
0x4f: {  	[sflag:s28] =	ssyncset.done $0x0;
	v1 =	vadd.f32 v5, v1  }
0x50: {  	[sflag:s28] =	ssyncadd.s32 $0xFFFFFF80;
	v0 =	vadd.f32 v3, v0;
	v3 =	vmul.f32 v2, v2  }
0x51: {  	v1 =	vadd.f32 v2, v1;
	v2 =	vld [tilespmem:$0x580]  }
0x52: {  	v0 =	vadd.f32 v3, v0;
	v3 =	vmul.f32 v6, v6  }
0x53: {  	v5 =	vld [tilespmem:$0x590];
	v1 =	vadd.f32 v6, v1  }
0x54: {  	v0 =	vadd.f32 v3, v0;
	v3 =	vmul.f32 v4, v4  }
0x55: {  	v1 =	vadd.f32 v4, v1;
	v4 =	vld [tilespmem:$0x5A0]  }
0x56: {  	v0 =	vadd.f32 v3, v0;
	v3 =	vmul.f32 v2, v2  }
0x57: {  	v1 =	vadd.f32 v2, v1;
	v2 =	vld [tilespmem:$0x5B0]  }
0x58: {  	v0 =	vadd.f32 v3, v0;
	v3 =	vmul.f32 v5, v5  }
0x59: {  	v1 =	vadd.f32 v5, v1;
	v5 =	vld [tilespmem:$0x5C0]  }
0x5a: {  	v0 =	vadd.f32 v3, v0;
	v3 =	vmul.f32 v4, v4  }
0x5b: {  	v1 =	vadd.f32 v4, v1;
	v4 =	vld [tilespmem:$0x5D0]  }
0x5c: {  	v0 =	vadd.f32 v3, v0;
	v3 =	vmul.f32 v2, v2  }
0x5d: {  	v6 =	vld [tilespmem:$0x5E0];
	v1 =	vadd.f32 v2, v1  }
0x5e: {  	v2 =	vld [tilespmem:$0x5F0];
	_ =	swait.ge [sflag:s28], $0x80;
	v0 =	vadd.f32 v3, v0;
	v3 =	vmul.f32 v5, v5  }
0x5f: {  	[sflag:s28] =	ssyncset.done $0x0;
	v1 =	vadd.f32 v5, v1  }
0x60: {  	[sflag:s28] =	ssyncadd.s32 $0xFFFFFF80;
	v0 =	vadd.f32 v3, v0;
	v3 =	vmul.f32 v4, v4  }
0x61: {  	v1 =	vadd.f32 v4, v1;
	v4 =	vld [tilespmem:$0x600]  }
0x62: {  	v0 =	vadd.f32 v3, v0;
	v3 =	vmul.f32 v6, v6  }
0x63: {  	v5 =	vld [tilespmem:$0x610];
	v1 =	vadd.f32 v6, v1  }
0x64: {  	v0 =	vadd.f32 v3, v0;
	v3 =	vmul.f32 v2, v2  }
0x65: {  	v1 =	vadd.f32 v2, v1;
	v2 =	vld [tilespmem:$0x620]  }
0x66: {  	v0 =	vadd.f32 v3, v0;
	v3 =	vmul.f32 v4, v4  }
0x67: {  	v1 =	vadd.f32 v4, v1;
	v4 =	vld [tilespmem:$0x630]  }
0x68: {  	v0 =	vadd.f32 v3, v0;
	v3 =	vmul.f32 v5, v5  }
0x69: {  	v1 =	vadd.f32 v5, v1;
	v5 =	vld [tilespmem:$0x640]  }
0x6a: {  	v0 =	vadd.f32 v3, v0;
	v3 =	vmul.f32 v2, v2  }
0x6b: {  	v1 =	vadd.f32 v2, v1;
	v2 =	vld [tilespmem:$0x650]  }
0x6c: {  	v0 =	vadd.f32 v3, v0;
	v3 =	vmul.f32 v4, v4  }
0x6d: {  	v6 =	vld [tilespmem:$0x660];
	v1 =	vadd.f32 v4, v1  }
0x6e: {  	v4 =	vld [tilespmem:$0x670];
	_ =	swait.ge [sflag:s28], $0x80;
	v0 =	vadd.f32 v3, v0;
	v3 =	vmul.f32 v5, v5  }
0x6f: {  	[sflag:s28] =	ssyncset.done $0x0;
	v1 =	vadd.f32 v5, v1  }
0x70: {  	[sflag:s28] =	ssyncadd.s32 $0xFFFFFF80;
	v0 =	vadd.f32 v3, v0;
	v3 =	vmul.f32 v2, v2  }
0x71: {  	v1 =	vadd.f32 v2, v1;
	v2 =	vld [tilespmem:$0x680]  }
0x72: {  	v0 =	vadd.f32 v3, v0;
	v3 =	vmul.f32 v6, v6  }
0x73: {  	v5 =	vld [tilespmem:$0x690];
	v1 =	vadd.f32 v6, v1  }
0x74: {  	v0 =	vadd.f32 v3, v0;
	v3 =	vmul.f32 v4, v4  }
0x75: {  	v1 =	vadd.f32 v4, v1;
	v4 =	vld [tilespmem:$0x6A0]  }
0x76: {  	v0 =	vadd.f32 v3, v0;
	v3 =	vmul.f32 v2, v2  }
0x77: {  	v1 =	vadd.f32 v2, v1;
	v2 =	vld [tilespmem:$0x6B0]  }
0x78: {  	v0 =	vadd.f32 v3, v0;
	v3 =	vmul.f32 v5, v5  }
0x79: {  	v1 =	vadd.f32 v5, v1;
	v5 =	vld [tilespmem:$0x6C0]  }
0x7a: {  	v0 =	vadd.f32 v3, v0;
	v3 =	vmul.f32 v4, v4  }
0x7b: {  	v1 =	vadd.f32 v4, v1;
	v4 =	vld [tilespmem:$0x6D0]  }
0x7c: {  	v0 =	vadd.f32 v3, v0;
	v3 =	vmul.f32 v2, v2  }
0x7d: {  	v6 =	vld [tilespmem:$0x6E0];
	v1 =	vadd.f32 v2, v1  }
0x7e: {  	v2 =	vld [tilespmem:$0x6F0];
	_ =	swait.ge [sflag:s28], $0x80;
	v0 =	vadd.f32 v3, v0;
	v3 =	vmul.f32 v5, v5  }
0x7f: {  	[sflag:s28] =	ssyncset.done $0x0;
	v1 =	vadd.f32 v5, v1  }
0x80: {  	[sflag:s28] =	ssyncadd.s32 $0xFFFFFF80;
	v0 =	vadd.f32 v3, v0;
	v3 =	vmul.f32 v4, v4  }
0x81: {  	v1 =	vadd.f32 v4, v1;
	v4 =	vld [tilespmem:$0x700]  }
0x82: {  	v0 =	vadd.f32 v3, v0;
	v3 =	vmul.f32 v6, v6  }
0x83: {  	v5 =	vld [tilespmem:$0x710];
	v1 =	vadd.f32 v6, v1  }
0x84: {  	v0 =	vadd.f32 v3, v0;
	v3 =	vmul.f32 v2, v2  }
0x85: {  	v1 =	vadd.f32 v2, v1;
	v2 =	vld [tilespmem:$0x720]  }
0x86: {  	v0 =	vadd.f32 v3, v0;
	v3 =	vmul.f32 v4, v4  }
0x87: {  	v1 =	vadd.f32 v4, v1;
	v4 =	vld [tilespmem:$0x730]  }
0x88: {  	v0 =	vadd.f32 v3, v0;
	v3 =	vmul.f32 v5, v5  }
0x89: {  	v1 =	vadd.f32 v5, v1;
	v5 =	vld [tilespmem:$0x740]  }
0x8a: {  	v0 =	vadd.f32 v3, v0;
	v3 =	vmul.f32 v2, v2  }
0x8b: {  	v1 =	vadd.f32 v2, v1;
	v2 =	vld [tilespmem:$0x750]  }
0x8c: {  	v0 =	vadd.f32 v3, v0;
	v3 =	vmul.f32 v4, v4  }
0x8d: {  	v6 =	vld [tilespmem:$0x760];
	v1 =	vadd.f32 v4, v1  }
0x8e: {  	v4 =	vld [tilespmem:$0x770];
	_ =	swait.ge [sflag:s28], $0x80;
	v0 =	vadd.f32 v3, v0;
	v3 =	vmul.f32 v5, v5  }
0x8f: {  	[sflag:s28] =	ssyncset.done $0x0;
	v1 =	vadd.f32 v5, v1  }
0x90: {  	[sflag:s28] =	ssyncadd.s32 $0xFFFFFF80;
	v0 =	vadd.f32 v3, v0;
	v3 =	vmul.f32 v2, v2  }
0x91: {  	v1 =	vadd.f32 v2, v1;
	v2 =	vld [tilespmem:$0x780]  }
0x92: {  	v0 =	vadd.f32 v3, v0;
	v3 =	vmul.f32 v6, v6  }
0x93: {  	v5 =	vld [tilespmem:$0x790];
	v1 =	vadd.f32 v6, v1  }
0x94: {  	v0 =	vadd.f32 v3, v0;
	v3 =	vmul.f32 v4, v4  }
0x95: {  	v1 =	vadd.f32 v4, v1;
	v4 =	vld [tilespmem:$0x7A0]  }
0x96: {  	v0 =	vadd.f32 v3, v0;
	v3 =	vmul.f32 v2, v2  }
0x97: {  	v1 =	vadd.f32 v2, v1;
	v2 =	vld [tilespmem:$0x7B0]  }
0x98: {  	v0 =	vadd.f32 v3, v0;
	v3 =	vmul.f32 v5, v5  }
0x99: {  	v1 =	vadd.f32 v5, v1;
	v5 =	vld [tilespmem:$0x7C0]  }
0x9a: {  	v0 =	vadd.f32 v3, v0;
	v3 =	vmul.f32 v4, v4  }
0x9b: {  	v1 =	vadd.f32 v4, v1;
	v4 =	vld [tilespmem:$0x7D0]  }
0x9c: {  	v0 =	vadd.f32 v3, v0;
	v3 =	vmul.f32 v2, v2  }
0x9d: {  	v1 =	vadd.f32 v2, v1;
	v2 =	vld [tilespmem:$0x7E0]  }
0x9e: {  	v0 =	vadd.f32 v3, v0;
	v3 =	vmul.f32 v5, v5  }
0x9f: {  	v1 =	vadd.f32 v5, v1;
	v5 =	vld [tilespmem:$0x7F0]  }
0xa0: {  	v0 =	vadd.f32 v3, v0;
	v3 =	vmul.f32 v4, v4  }
0xa1: {  	v1 =	vadd.f32 v4, v1  }
0xa2: {  	v0 =	vadd.f32 v3, v0;
	v3 =	vmul.f32 v2, v2  }
0xa3: {  	v1 =	vadd.f32 v2, v1  }
0xa4: {  	v0 =	vadd.f32 v3, v0;
	v2 =	vmul.f32 v5, v5  }
0xa5: {  	v1 =	vadd.f32 v5, v1  }
0xa6: {  	v0 =	vadd.f32 v2, v0  }
0xa7: {  	s29 =	sshll.u32 s1, $0x5;
	[tilespmem:$0xC00] =	vst v1  }
0xa8: {  	s30 =	simm.s32 $0xC00;
	s7 =	sadd.s32 s4, s29;
	[tilespmem:$0xC80] =	vst v0  }
0xa9: {  	[hbm4b:s7+s5] =	stream.linear.scatter [tilespmem:s30], [sflag:$0x2], $0x100, $0x38;
	[tilespmem:$0x2100] =	vst v63  }
0xaa: {  	_ =	swait.ge [sflag:s13], $0x100  }
0xab: {  	[sflag:s13] =	ssyncset.done $0x0  }
0xac: {  	[sflag:s13] =	ssyncadd.s32 $0xFFFFFF00  }
0xad: {  	s31 =	simm.s32 $0xD00;
	[bflag:$0x0] =	sbarrier.arrive $0xFFFF  }
0xae: {  	[tilespmem:s31], [sflag:$0x2] =	stream.linear.gather [hbm4b:s4+s5], $0x1000, $0x38;
	[tilespmem:$0x2100] =	vst v63  }
0xaf: {  	_ =	swait.ge [sflag:s13], $0x1000  }
0xb0: {  	[sflag:s13] =	ssyncset.done $0x0  }
0xb1: {  	[sflag:s13] =	ssyncadd.s32 $0xFFFFF000  }
0xb2: {  	v0 =	vld [tilespmem:$0xD00]  }
0xb3: {  	v1 =	vld [tilespmem:$0xD80]  }
0xb4: {  	v2 =	vld [tilespmem:$0xE00]  }
0xb5: {  	v3 =	vld [tilespmem:$0xE80]  }
0xb6: {  	v4 =	vld [tilespmem:$0xF00]  }
0xb7: {  	v5 =	vld [tilespmem:$0xF80];
	v0 =	vadd.f32 $0.0e+00, v0  }
0xb8: {  	v6 =	vld [tilespmem:$0x1000];
	v1 =	vadd.f32 $0.0e+00, v1  }
0xb9: {  	v0 =	vadd.f32 v2, v0;
	v2 =	vld [tilespmem:$0x1080]  }
0xba: {  	v1 =	vadd.f32 v3, v1;
	v3 =	vld [tilespmem:$0x1100]  }
0xbb: {  	v0 =	vadd.f32 v4, v0;
	v4 =	vld [tilespmem:$0x1180]  }
0xbc: {  	v1 =	vadd.f32 v5, v1;
	v5 =	vld [tilespmem:$0x1200]  }
0xbd: {  	v0 =	vadd.f32 v6, v0;
	v6 =	vld [tilespmem:$0x1280]  }
0xbe: {  	v1 =	vadd.f32 v2, v1;
	v2 =	vld [tilespmem:$0x1300]  }
0xbf: {  	v0 =	vadd.f32 v3, v0;
	v3 =	vld [tilespmem:$0x1380]  }
0xc0: {  	v1 =	vadd.f32 v4, v1;
	v4 =	vld [tilespmem:$0x1400]  }
0xc1: {  	v0 =	vadd.f32 v5, v0;
	v5 =	vld [tilespmem:$0x1480]  }
0xc2: {  	v1 =	vadd.f32 v6, v1;
	v6 =	vld [tilespmem:$0x1500]  }
0xc3: {  	v0 =	vadd.f32 v2, v0;
	v2 =	vld [tilespmem:$0x1580]  }
0xc4: {  	v1 =	vadd.f32 v3, v1;
	v3 =	vld [tilespmem:$0x1600]  }
0xc5: {  	v0 =	vadd.f32 v4, v0;
	v4 =	vld [tilespmem:$0x1680]  }
0xc6: {  	v1 =	vadd.f32 v5, v1;
	v5 =	vld [tilespmem:$0x1700]  }
0xc7: {  	v0 =	vadd.f32 v6, v0;
	v6 =	vld [tilespmem:$0x1780]  }
0xc8: {  	v1 =	vadd.f32 v2, v1;
	v2 =	vld [tilespmem:$0x1800]  }
0xc9: {  	v0 =	vadd.f32 v3, v0;
	v3 =	vld [tilespmem:$0x1880]  }
0xca: {  	v1 =	vadd.f32 v4, v1;
	v4 =	vld [tilespmem:$0x1900]  }
0xcb: {  	v0 =	vadd.f32 v5, v0;
	v5 =	vld [tilespmem:$0x1980]  }
0xcc: {  	v1 =	vadd.f32 v6, v1;
	v6 =	vld [tilespmem:$0x1A00]  }
0xcd: {  	v0 =	vadd.f32 v2, v0;
	v2 =	vld [tilespmem:$0x1A80]  }
0xce: {  	v1 =	vadd.f32 v3, v1;
	v3 =	vld [tilespmem:$0x1B00]  }
0xcf: {  	v0 =	vadd.f32 v4, v0;
	v4 =	vld [tilespmem:$0x1B80]  }
0xd0: {  	v7 =	vimm.s32 $0xEFCDAB89;
	v8 =	vimm.s32 $0x67452301;
	v1 =	vadd.f32 v5, v1  }
0xd1: {  	v7 =	vunpack.c.l.s4.s8 v7;
	v8 =	vunpack.c.l.s4.s8 v8;
	v5 =	vld [tilespmem:$0x1C00];
	v0 =	vadd.f32 v6, v0  }
0xd2: {  	v1 =	vadd.f32 v2, v1  }
0xd3: {  	v6 =	vld [tilespmem:$0x1C80];
	v2 =	vunpack.c.0.s8.s32 v7;
	v0 =	vadd.f32 v3, v0;
	v3 =	vunpack.c.0.s8.s32 v8  }
0xd4: {  	v7 =	vimm.s32 $0x54761032;
	v1 =	vadd.f32 v4, v1;
	v4 =	vimm.s32 $0xDCFE98BA  }
0xd5: {  	v2 =	vcombine.low v3, v2;
	v3 =	vunpack.c.l.s4.s8 v4;
	v4 =	vunpack.c.l.s4.s8 v7  }
0xd6: {  	v0 =	vadd.f32 v5, v0;
	v7 =	vimm.s32 $0x32107654  }
0xd7: {  	v2 =	vand.u32 $0xF, v2;
	v3 =	vunpack.c.0.s8.s32 v3;
	v4 =	vunpack.c.0.s8.s32 v4  }
0xd8: {  	v1 =	vadd.f32 v6, v1;
	v6 =	vimm.s32 $0xBA98FEDC;
	v5 =	vperm.xlane v0, v2  }
0xd9: {  	v3 =	vcombine.low v4, v3;
	v4 =	vunpack.c.l.s4.s8 v6;
	v6 =	vunpack.c.l.s4.s8 v7  }
0xda: {  	v2 =	vperm.xlane v1, v2;
	v0 =	vadd.f32 v5, v0  }
0xdb: {  	v3 =	vand.u32 $0xF, v3;
	v4 =	vunpack.c.0.s8.s32 v4;
	v5 =	vunpack.c.0.s8.s32 v6  }
0xdc: {  	v7 =	vimm.s32 $0xFEDCBA98;
	v1 =	vadd.f32 v2, v1;
	v6 =	vperm.xlane v0, v3  }
0xdd: {  	v2 =	vcombine.low v5, v4;
	v4 =	vimm.s32 $0x76543210;
	v5 =	vunpack.c.l.s4.s8 v7  }
0xde: {  	v3 =	vperm.xlane v1, v3;
	v0 =	vadd.f32 v6, v0;
	v4 =	vunpack.c.l.s4.s8 v4  }
0xdf: {  	v2 =	vand.u32 $0xF, v2;
	v5 =	vunpack.c.0.s8.s32 v5  }
0xe0: {  	v1 =	vadd.f32 v3, v1;
	v6 =	vperm.xlane v0, v2;
	v4 =	vunpack.c.0.s8.s32 v4  }
0xe1: {  	v3 =	vand.u32 $0xF, v5  }
0xe2: {  	v2 =	vperm.xlane v1, v2;
	v0 =	vadd.f32 v6, v0;
	v3 =	vcombine.low v3, v4;
	_ =	sdelay $0x1  }
0xe3: {  	v1 =	vadd.f32 v2, v1;
	v4 =	vperm.xlane v0, v3;
	_ =	sdelay $0x1  }
0xe4: {  	v3 =	vperm.xlane v1, v3;
	v2 =	vadd.f32 v4, v0  }
0xe5: {  	v0 =	vld [tilespmem:$0x800]  }
0xe6: {  	v1 =	vadd.f32 v3, v1;
	v3 =	vmul.f32 $6.103515630e-05, v2;
	_ =	sdelay $0x1  }
0xe7: {  	v1 =	vmul.f32 $6.103515630e-05, v1;
	v2 =	vmul.f32 v3, v3;
	_ =	sdelay $0x1  }
0xe8: {  	v1 =	vsub.f32 v1, v2;
	v2 =	vmul.f32 v0, v0;
	_ =	sdelay $0x1  }
0xe9: {  	v1 =	vmul.f32 v1, v2;
	_ =	sdelay $0x1  }
0xea: {  	v1 =	vadd.f32 $9.999999740e-06, v1;
	_ =	sdelay $0x1  }
0xeb: {  	v2 =	vshra.s32 v1, $0x1;
	v1 =	vmul.f32 $5.000000000e-01, v1  }
0xec: {  	v2 =	vsub.s32 $0x5F3759DF, v2  }
0xed: {  	v4 =	vmul.f32 v2, v1;
	_ =	sdelay $0x1  }
0xee: {  	v4 =	vmul.f32 v2, v4;
	_ =	sdelay $0x1  }
0xef: {  	v4 =	vsub.f32 $1.500000000e+00, v4;
	_ =	sdelay $0x1  }
0xf0: {  	v2 =	vmul.f32 v2, v4;
	_ =	sdelay $0x1  }
0xf1: {  	v4 =	vmul.f32 v2, v1;
	_ =	sdelay $0x1  }
0xf2: {  	v4 =	vmul.f32 v4, v2;
	_ =	sdelay $0x1  }
0xf3: {  	v4 =	vsub.f32 $1.500000000e+00, v4;
	_ =	sdelay $0x1  }
0xf4: {  	v2 =	vmul.f32 v4, v2;
	_ =	sdelay $0x1  }
0xf5: {  	v4 =	vmul.f32 v2, v1;
	_ =	sdelay $0x1  }
0xf6: {  	v4 =	vmul.f32 v4, v2;
	_ =	sdelay $0x1  }
0xf7: {  	v4 =	vsub.f32 $1.500000000e+00, v4;
	_ =	sdelay $0x1  }
0xf8: {  	v4 =	vmul.f32 v4, v2;
	_ =	sdelay $0x1  }
0xf9: {  	v1 =	vmul.f32 v4, v1  }
0xfa: {  	s4 =	simm.s32 $0x0;
	v5 =	vld [tilespmem:$0x900]  }
0xfb: {  	v6 =	vld [tilespmem:s4+$0x400];
	v1 =	vmul.f32 v1, v4  }
0xfc: {  	v2 =	vld [tilespmem:$0x880]  }
0xfd: {  	v1 =	vsub.f32 $1.500000000e+00, v1;
	_ =	sdelay $0x1  }
0xfe: {  	v3 =	vmul.f32 v0, v3;
	v1 =	vmul.f32 v1, v4  }
0xff: {  	v4 =	vld [tilespmem:$0x980]  }
0x100: {  	v3 =	vadd.f32 v2, v3;
	v7 =	vmul.f32 v1, v5;
	v1 =	vmul.f32 v6, v0  }
0x101: {  	s5 =	simm.s32 $0x10  }
0x102: {  	v5 =	vld [tilespmem:s5+$0x400];
	v3 =	vmul.f32 v7, v3;
	v1 =	vadd.f32 v1, v2;
	_ =	sdelay $0x1  }
0x103: {  	v8 =	vsub.f32 v4, v3;
	v1 =	vmul.f32 v1, v7;
	_ =	sdelay $0x1  }
0x104: {  	v1 =	vadd.f32 v1, v8  }
0x105: {  	s6 =	simm.s32 $0x20;
	v4 =	vmul.f32 v5, v0  }
0x106: {  	v3 =	vld [tilespmem:s6+$0x400];
	v6 =	vsub.f32 v1, v1  }
0x107: {  	v1 =	vadd.f32 v4, v2  }
0x108: {  	s8 =	simm.s32 $0x40;
	v4 =	vmul.f32 v6, v6  }
0x109: {  	v10 =	vld [tilespmem:s8+$0x400];
	v1 =	vmul.f32 v1, v7  }
0x10a: {  	s7 =	simm.s32 $0x30;
	v4 =	vadd.f32 $9.999999740e-06, v4  }
0x10b: {  	v5 =	vld [tilespmem:s7+$0x400];
	v3 =	vmul.f32 v3, v0;
	v1 =	vadd.f32 v1, v8  }
0x10c: {  	v9 =	vshra.s32 v4, $0x1;
	v4 =	vmul.f32 $5.000000000e-01, v4  }
0x10d: {  	v3 =	vadd.f32 v3, v2;
	v1 =	vsub.f32 v1, v1;
	v9 =	vsub.s32 $0x5F3759DF, v9  }
0x10e: {  	v10 =	vmul.f32 v10, v0;
	v11 =	vmul.f32 v9, v4  }
0x10f: {  	v3 =	vmul.f32 v3, v7;
	v12 =	vmul.f32 v1, v1  }
0x110: {  	v10 =	vadd.f32 v10, v2;
	v5 =	vmul.f32 v5, v0;
	v11 =	vmul.f32 v9, v11  }
0x111: {  	v3 =	vadd.f32 v3, v8;
	v12 =	vadd.f32 $9.999999740e-06, v12  }
0x112: {  	v5 =	vadd.f32 v5, v2;
	v11 =	vsub.f32 $1.500000000e+00, v11  }
0x113: {  	s9 =	simm.s32 $0x50;
	v3 =	vsub.f32 v3, v3;
	v13 =	vshra.s32 v12, $0x1;
	v14 =	vmul.f32 $5.000000000e-01, v12  }
0x114: {  	v5 =	vmul.f32 v5, v7;
	v15 =	vsub.s32 $0x5F3759DF, v13;
	v13 =	vld [tilespmem:s9+$0x400];
	v9 =	vmul.f32 v9, v11  }
0x115: {  	v12 =	vmul.f32 v3, v3;
	v11 =	vmul.f32 v15, v14  }
0x116: {  	v10 =	vmul.f32 v10, v7;
	v5 =	vadd.f32 v5, v8;
	v16 =	vmul.f32 v9, v4  }
0x117: {  	v12 =	vadd.f32 $9.999999740e-06, v12;
	v11 =	vmul.f32 v15, v11  }
0x118: {  	v10 =	vadd.f32 v10, v8;
	v4 =	vsub.f32 v5, v5;
	v16 =	vmul.f32 v16, v9  }
0x119: {  	v5 =	vshra.s32 v12, $0x1;
	v17 =	vmul.f32 v13, v0;
	v11 =	vsub.f32 $1.500000000e+00, v11  }
0x11a: {  	s10 =	simm.s32 $0x60;
	v12 =	vmul.f32 $5.000000000e-01, v12;
	v18 =	vmul.f32 v4, v4;
	v16 =	vsub.f32 $1.500000000e+00, v16  }
0x11b: {  	v19 =	vld [tilespmem:s10+$0x400];
	v13 =	vsub.s32 $0x5F3759DF, v5;
	v5 =	vadd.f32 v17, v2;
	v11 =	vmul.f32 v15, v11  }
0x11c: {  	v15 =	vmul.f32 v13, v12;
	v17 =	vadd.f32 $9.999999740e-06, v18;
	v18 =	vmul.f32 v16, v9  }
0x11d: {  	v16 =	vmul.f32 v5, v7;
	v14 =	vmul.f32 v11, v14;
	v5 =	vld [tilespmem:$0xA00]  }
0x11e: {  	v9 =	vsub.f32 v10, v10;
	v10 =	vmul.f32 $5.000000000e-01, v17;
	v21 =	vmul.f32 v13, v15  }
0x11f: {  	v20 =	vshra.s32 v17, $0x1;
	v17 =	vmul.f32 v14, v11;
	v14 =	vmul.f32 v18, v6;
	v6 =	vld [tilespmem:$0xA80]  }
0x120: {  	v19 =	vmul.f32 v19, v0  }
0x121: {  	s11 =	simm.s32 $0x1C0;
	v15 =	vsub.s32 $0x5F3759DF, v20;
	v16 =	vadd.f32 v16, v8;
	v18 =	vsub.f32 $1.500000000e+00, v21  }
.LBB2_1:
0x122: {  	s12 =	sshra.s32 s11, $0x2;
	p0 =	sne.s32 s11, $0xFC0;
	s11 =	sadd.s32 $0x40, s11;
	v20 =	vmul.f32 v9, v9;
	v17 =	vsub.f32 $1.500000000e+00, v17;
	v14 =	vmul.f32 v14, v5;
	v21 =	vmovc v9  }
0x123: {  	v22 =	vld [tilespmem:s12+$0x400];
	v9 =	vadd.f32 v19, v2;
	v19 =	vmul.f32 v15, v10;
	v18 =	vmul.f32 v13, v18;
	v13 =	vmovc v15  }
.Ltmp0:
0x124: {  	v15 =	vadd.f32 $9.999999740e-06, v20;
	v20 =	vmul.f32 v17, v11;
	v14 =	vadd.f32 v14, v6;
	(pc) =	sbr.rel @p0 .LBB2_1-.Ltmp0, $4  }
0x125: {  	v17 =	vmul.f32 v9, v7;
	v9 =	vsub.f32 v16, v16;
	v23 =	vmul.f32 v18, v12;
	v11 =	vmovc v18  }
0x126: {  	v24 =	vmul.f32 v13, v19;
	v12 =	vmovc v10;
	v18 =	vshra.s32 v15, $0x1;
	[tilespmem:s4+$0x1D00] =	vst v14;
	v10 =	vmul.f32 $5.000000000e-01, v15;
	s4 =	smov.u32 s5;
	s5 =	smov.u32 s6;
	s6 =	smov.u32 s7  }
0x127: {  	v14 =	vmul.f32 v20, v1;
	v1 =	vmovc v3;
	s7 =	smov.u32 s8;
	s8 =	smov.u32 s9;
	s9 =	smov.u32 s10;
	v16 =	vadd.f32 v17, v8;
	v17 =	vmul.f32 v23, v11  }
0x128: {  	v3 =	vmovc v4;
	v4 =	vmovc v21;
	s10 =	smov.u32 s12;
	v15 =	vsub.s32 $0x5F3759DF, v18;
	v18 =	vsub.f32 $1.500000000e+00, v24;
	v19 =	vmul.f32 v22, v0  }
0x129: {  	_ = 	snop  }
0x12a: {  	v0 =	vadd.f32 v19, v2;
	_ =	sdelay $0x1  }
0x12b: {  	v0 =	vmul.f32 v0, v7;
	_ =	sdelay $0x1  }
0x12c: {  	v0 =	vadd.f32 v0, v8  }
0x12d: {  	v41 =	vmul.f32 v9, v9;
	v42 =	vsub.f32 v16, v16  }
0x12e: {  	v45 =	vmul.f32 v15, v10;
	v0 =	vsub.f32 v0, v0  }
0x12f: {  	v14 =	vmul.f32 v14, v5;
	v2 =	vadd.f32 $9.999999740e-06, v41;
	v43 =	vmul.f32 v42, v42  }
0x130: {  	v44 =	vsub.f32 $1.500000000e+00, v17;
	v13 =	vmul.f32 v13, v18;
	v47 =	vmul.f32 v0, v0  }
0x131: {  	v46 =	vshra.s32 v2, $0x1;
	v2 =	vmul.f32 $5.000000000e-01, v2;
	v8 =	vadd.f32 $9.999999740e-06, v43  }
0x132: {  	v17 =	vmul.f32 v15, v45;
	v18 =	vsub.s32 $0x5F3759DF, v46;
	v19 =	vadd.f32 $9.999999740e-06, v47  }
0x133: {  	v21 =	vmul.f32 v18, v2;
	v20 =	vshra.s32 v8, $0x1;
	v8 =	vmul.f32 $5.000000000e-01, v8  }
0x134: {  	v20 =	vsub.s32 $0x5F3759DF, v20;
	v23 =	vshra.s32 v19, $0x1;
	v19 =	vmul.f32 $5.000000000e-01, v19  }
0x135: {  	v12 =	vmul.f32 v13, v12;
	v22 =	vmul.f32 v20, v8;
	v23 =	vsub.s32 $0x5F3759DF, v23  }
0x136: {  	v48 =	vsub.f32 $1.500000000e+00, v17;
	v21 =	vmul.f32 v18, v21;
	v24 =	vmul.f32 v23, v19  }
0x137: {  	v12 =	vmul.f32 v12, v13;
	v22 =	vmul.f32 v20, v22  }
0x138: {  	v52 =	vmul.f32 v15, v48;
	v49 =	vsub.f32 $1.500000000e+00, v21;
	v51 =	vmul.f32 v23, v24  }
0x139: {  	v11 =	vmul.f32 v44, v11;
	v12 =	vsub.f32 $1.500000000e+00, v12;
	v50 =	vsub.f32 $1.500000000e+00, v22  }
0x13a: {  	v56 =	vmul.f32 v52, v10;
	v53 =	vmul.f32 v18, v49;
	v55 =	vsub.f32 $1.500000000e+00, v51  }
0x13b: {  	v12 =	vmul.f32 v12, v13;
	v54 =	vmul.f32 v20, v50  }
0x13c: {  	v2 =	vmul.f32 v53, v2;
	v17 =	vmul.f32 v23, v55  }
0x13d: {  	v10 =	vmul.f32 v56, v52;
	v8 =	vmul.f32 v54, v8  }
0x13e: {  	v2 =	vmul.f32 v2, v53;
	v57 =	vmul.f32 v17, v19  }
0x13f: {  	v1 =	vmul.f32 v11, v1;
	v10 =	vsub.f32 $1.500000000e+00, v10;
	v8 =	vmul.f32 v8, v54  }
0x140: {  	v3 =	vmul.f32 v12, v3;
	v2 =	vsub.f32 $1.500000000e+00, v2;
	v58 =	vmul.f32 v57, v17  }
0x141: {  	v1 =	vmul.f32 v1, v5;
	v10 =	vmul.f32 v10, v52;
	v8 =	vsub.f32 $1.500000000e+00, v8  }
0x142: {  	v3 =	vmul.f32 v3, v5;
	v2 =	vmul.f32 v2, v53;
	v11 =	vsub.f32 $1.500000000e+00, v58  }
0x143: {  	v4 =	vmul.f32 v10, v4;
	v8 =	vmul.f32 v8, v54  }
0x144: {  	v59 =	vadd.f32 v14, v6;
	v2 =	vmul.f32 v2, v9;
	v60 =	vmul.f32 v11, v17  }
0x145: {  	v1 =	vadd.f32 v1, v6;
	v4 =	vmul.f32 v4, v5;
	v7 =	vmul.f32 v8, v42  }
0x146: {  	[tilespmem:s4+$0x1D00] =	vst v59;
	v3 =	vadd.f32 v3, v6;
	v2 =	vmul.f32 v2, v5;
	v0 =	vmul.f32 v60, v0  }
0x147: {  	[tilespmem:s5+$0x1D00] =	vst v1;
	v61 =	vadd.f32 v4, v6;
	v62 =	vmul.f32 v7, v5  }
0x148: {  	[tilespmem:s6+$0x1D00] =	vst v3;
	v2 =	vadd.f32 v2, v6;
	v0 =	vmul.f32 v0, v5  }
0x149: {  	[tilespmem:s7+$0x1D00] =	vst v61;
	v63 =	vadd.f32 v62, v6  }
0x14a: {  	[tilespmem:s8+$0x1D00] =	vst v2;
	v0 =	vadd.f32 v0, v6  }
0x14b: {  	s2 =	sadd.s32 s2, s3;
	[tilespmem:s9+$0x1D00] =	vst v63  }
0x14c: {  	s29 =	simm.s32 $0x0;
	s30 =	simm.s32 $0x1D00;
	s31 =	simm.s32 $0x2;
	[tilespmem:s10+$0x1D00] =	vst v0  }
0x14d: {  	[hbm4b:s2+s29] =	stream.linear.scatter [tilespmem:s30], [sflag:$0x2], $0x400, $0x38;
	[tilespmem:$0x2100] =	vst v63  }
0x14e: {  	_ =	swait.ge [sflag:s31], $0x400  }
0x14f: {  	[sflag:s31] =	ssyncset.done $0x0  }
0x150: {  	[sflag:s31] =	ssyncadd.s32 $0xFFFFFC00  }
0x151: {  	_ =	sfence.sel $0x180000  }
0x152: {  	[bflag:$0x0] =	sbarrier.arrive $0xFFFF  }
0x153: {  	p0 =	sne.s32 s1, $0x0;
	_ =	strace $0x90000047  }
0x154: {  	s0 =	sadd.s32 @!p0 $0x100000, s0;
	[bflag:$0x2] =	sbarrier.arrive $0xFFFF  }
0x155: {  	[sflag:s0] =	ssyncadd.tile.s32 @!p0 $0x1;
	_ =	shalt  }
.Lfunc_end2:
_tile_overlayer_lowered:
.L_overlay_start_2:
0x156: {  	(tag) =	ssettag $0x2  }
0x157: {  	s0 =	rddreg [dreg:$0x0];
	s2 =	stileid.u32  }
0x158: {  	s1 =	rddreg [dreg:$0x1];
	p0 =	sne.s32 s2, $0x0  }
0x159: {  	s3 =	rddreg [dreg:$0x2];
	[bflag:$0x3] =	sbarrier.arrive $0xFFFF;
	s2 =	simm.s32 @!p0 $0x1C02  }
0x15a: {  	[timem:s3], [sflag:s2] =	dma.local @!p0 [hbm:s0], s1  }
0x15b: {  	s0 =	simm.s32 @!p0 $0x2  }
0x15c: {  	_ =	swait.ge @!p0 [sflag:s0], s1  }
0x15d: {  	s1 =	ssub.s32 @!p0 $0x0, s1;
	[sflag:s0] =	ssyncset.done @!p0 $0x0  }
0x15e: {  	[sflag:s0] =	ssyncadd.s32 @!p0 s1  }
0x15f: {  	[bflag:$0x3] =	sbarrier.arrive $0xFFFF  }
0x160: {  	_ =	shalt  }

</sc_bundles>
